<compile_context>
chip_gen: v7x
topology: tpu7x:2x2x1
jax: 0.10.2.dev20260603
libtpu: 0.0.44.dev20260713+nightly
codegen_flags: <defaults>
</compile_context>

<pallas_src>
import functools
import jax
import jax.numpy as jnp
from jax.experimental import pallas as pl


def _index_points(points, idx):
    bidx = jnp.arange(points.shape[0]).reshape((points.shape[0],) + (1,) * (idx.ndim - 1))
    return points[bidx, idx]


def _square_distance(src, dst):
    return (jnp.sum(src ** 2, -1)[:, :, None] + jnp.sum(dst ** 2, -1)[:, None, :]
            - 2.0 * jnp.einsum("bnc,bmc->bnm", src, dst))


def _fps_body(xyz_ref, nxyz_ref, *, n, npoint):
    L = n // 8
    M = npoint // 8
    x = xyz_ref[0, 0]
    y = xyz_ref[0, 1]
    z = xyz_ref[0, 2]
    fidx = (jax.lax.broadcasted_iota(jnp.int32, (8, L), 0) * L
            + jax.lax.broadcasted_iota(jnp.int32, (8, L), 1))
    oidx = (jax.lax.broadcasted_iota(jnp.int32, (8, M), 0) * M
            + jax.lax.broadcasted_iota(jnp.int32, (8, M), 1))

    def body(i, st):
        dist, far, cxa, cya, cza = st
        eq = fidx == far
        cx = jnp.sum(jnp.where(eq, x, 0.0))
        cy = jnp.sum(jnp.where(eq, y, 0.0))
        cz = jnp.sum(jnp.where(eq, z, 0.0))
        sel = oidx == i
        cxa = jnp.where(sel, cx, cxa)
        cya = jnp.where(sel, cy, cya)
        cza = jnp.where(sel, cz, cza)
        dx = x - cx
        dy = y - cy
        dz = z - cz
        d = (dx * dx + dy * dy) + dz * dz
        dist = jnp.minimum(dist, d)
        maxv = jnp.max(dist)
        far = jnp.min(jnp.where(dist == maxv, fidx, n))
        return dist, far, cxa, cya, cza

    dist0 = jnp.full((8, L), 1e10, jnp.float32)
    z8 = jnp.zeros((8, M), jnp.float32)
    _, _, cxa, cya, cza = jax.lax.fori_loop(
        0, npoint, body, (dist0, jnp.int32(0), z8, z8, z8))
    nxyz_ref[0, 0] = cxa
    nxyz_ref[0, 1] = cya
    nxyz_ref[0, 2] = cza


def _fps_xyz(xyz_t, npoint):
    b, _, n = xyz_t.shape
    xyz4 = xyz_t.reshape(b, 3, 8, n // 8)
    out = pl.pallas_call(
        functools.partial(_fps_body, n=n, npoint=npoint),
        grid=(b,),
        in_specs=[pl.BlockSpec((1, 3, 8, n // 8), lambda i: (i, 0, 0, 0))],
        out_specs=pl.BlockSpec((1, 3, 8, npoint // 8), lambda i: (i, 0, 0, 0)),
        out_shape=jax.ShapeDtypeStruct((b, 3, 8, npoint // 8), jnp.float32),
    )(xyz4)
    return out.reshape(b, 3, npoint)


def _query_ball(radius, nsample, xyz, new_xyz):
    b, n, _ = xyz.shape
    s = new_xyz.shape[1]
    sq = _square_distance(new_xyz, xyz)
    gi = jnp.broadcast_to(jnp.arange(n, dtype=jnp.int32), (b, s, n))
    gi = jnp.where(sq > radius * radius, n, gi)
    gi = jnp.sort(gi, -1)[:, :, :nsample]
    first = jnp.broadcast_to(gi[:, :, :1], gi.shape)
    gi = jnp.where(gi == n, first, gi)
    return gi


def _bn(x, g, b_, axes):
    m = jnp.mean(x, axes, keepdims=True)
    v = jnp.var(x, axes, keepdims=True)
    return (x - m) / jnp.sqrt(v + 1e-5) * g + b_


def _fps_jnp(xyz, npoint):
    b, n, _ = xyz.shape

    def body(i, st):
        cent, dist, far = st
        cent = cent.at[:, i].set(far)
        c = _index_points(xyz, far[:, None])
        d = jnp.sum((xyz - c) ** 2, -1)
        dist = jnp.minimum(dist, d)
        far = jnp.argmax(dist, -1).astype(jnp.int32)
        return cent, dist, far

    cent0 = jnp.zeros((b, npoint), jnp.int32)
    dist0 = jnp.full((b, n), 1e10, jnp.float32)
    far0 = jnp.zeros((b,), jnp.int32)
    cent, _, _ = jax.lax.fori_loop(0, npoint, body, (cent0, dist0, far0))
    return cent


def _sa_msg(xyz_t, pts_t, npoint, radii, nsamples, branches, use_ref_fps=False):
    xyz = jnp.transpose(xyz_t, (0, 2, 1))
    pts = jnp.transpose(pts_t, (0, 2, 1))
    if use_ref_fps:
        new_xyz = _index_points(xyz, _fps_jnp(xyz, npoint))
    else:
        new_xyz = jnp.transpose(_fps_xyz(xyz_t, npoint), (0, 2, 1))
    outs = []
    for r, ns, layers in zip(radii, nsamples, branches):
        idx = _query_ball(r, ns, xyz, new_xyz)
        gx = _index_points(xyz, idx) - new_xyz[:, :, None, :]
        h = jnp.concatenate([_index_points(pts, idx), gx], -1)
        for L in layers:
            h = jax.nn.relu(_bn(h @ L["w"] + L["b"], L["g"], L["bb"], (0, 1, 2)))
        outs.append(jnp.max(h, 2))
    npts = jnp.concatenate(outs, -1)
    return jnp.transpose(new_xyz, (0, 2, 1)), jnp.transpose(npts, (0, 2, 1))


def _fp(xyz1_t, xyz2_t, pts1_t, pts2_t, layers):
    xyz1 = jnp.transpose(xyz1_t, (0, 2, 1))
    xyz2 = jnp.transpose(xyz2_t, (0, 2, 1))
    pts2 = jnp.transpose(pts2_t, (0, 2, 1))
    d = _square_distance(xyz1, xyz2)
    negd, idx = jax.lax.top_k(-d, 3)
    dd = -negd
    rec = 1.0 / (dd + 1e-8)
    w = rec / jnp.sum(rec, -1, keepdims=True)
    interp = jnp.sum(_index_points(pts2, idx) * w[..., None], 2)
    h = jnp.concatenate([jnp.transpose(pts1_t, (0, 2, 1)), interp], -1)
    for L in layers:
        h = jax.nn.relu(_bn(h @ L["w"] + L["b"], L["g"], L["bb"], (0, 1)))
    return jnp.transpose(h, (0, 2, 1))


def _copy_kernel(x_ref, o_ref):
    o_ref[...] = x_ref[...]


def _pallas_copy(x):
    return pl.pallas_call(
        _copy_kernel,
        out_shape=jax.ShapeDtypeStruct(x.shape, x.dtype),
    )(x)


@jax.jit
def kernel(xyz_in, params):
    p = params
    l0_points = xyz_in
    l0_xyz = xyz_in[:, :3, :]
    l1_xyz, l1_points = _sa_msg(l0_xyz, l0_points, 1024, [0.025, 0.05], [32, 64], p["sa1"])
    l2_xyz, l2_points = _sa_msg(l1_xyz, l1_points, 512, [0.05, 0.1], [32, 64], p["sa2"])
    l3_xyz, l3_points = _sa_msg(l2_xyz, l2_points, 256, [0.1, 0.2], [32, 64], p["sa3"],
                                use_ref_fps=True)
    l2_points = _fp(l2_xyz, l3_xyz, l2_points, l3_points, p["fp3"])
    l1_points = _fp(l1_xyz, l2_xyz, l1_points, l2_points, p["fp2"])
    l0p = _fp(l0_xyz, l1_xyz, l0_points, l1_points, p["fp1"])
    l0p = _pallas_copy(l0p)
    h = jnp.transpose(l0p, (0, 2, 1))
    o1 = jax.nn.relu(_bn(h @ p["off1"]["w"] + p["off1"]["b"], p["off1"]["g"], p["off1"]["bb"], (0, 1)))
    off = jnp.transpose(o1 @ p["off2"]["w"] + p["off2"]["b"], (0, 2, 1))
    d1 = jax.nn.relu(_bn(h @ p["dist1"]["w"] + p["dist1"]["b"], p["dist1"]["g"], p["dist1"]["bb"], (0, 1)))
    dist = jnp.transpose(d1 @ p["dist2"]["w"] + p["dist2"]["b"], (0, 2, 1))
    c1 = jax.nn.relu(_bn(h @ p["cls1"]["w"] + p["cls1"]["b"], p["cls1"]["g"], p["cls1"]["bb"], (0, 1)))
    cls_pred = jnp.transpose(c1 @ p["cls2"]["w"] + p["cls2"]["b"], (0, 2, 1))
    return (l0p, l3_points, l0_xyz, l3_xyz, off, dist, cls_pred)

# --- scband reference (transcript-rebuilt; emitter-appended) ---
"""Pipeline reference for scband-get-model-82600811036783 (READ-ONLY COPY).

The authoritative reference and input builder live on the scoring server;
editing this copy changes nothing except your own understanding.
"""

import jax, jax.numpy as jnp
import numpy as np

B, N, S = 2, 16384, 4


def _cbn(key, cin, cout):
    k1, _ = jax.random.split(key)
    return {"w": jax.random.normal(k1, (cin, cout), jnp.float32) / np.sqrt(cin),
            "b": jnp.zeros((cout,), jnp.float32),
            "g": jnp.ones((cout,), jnp.float32),
            "bb": jnp.zeros((cout,), jnp.float32)}


def _conv(key, cin, cout, zero_w=False):
    k1, k2 = jax.random.split(key)
    if zero_w:
        w = jnp.zeros((cin, cout), jnp.float32)
    else:
        w = jax.random.normal(k1, (cin, cout), jnp.float32) / np.sqrt(cin)
    b = jax.random.uniform(k2, (cout,), jnp.float32, -1.0 / np.sqrt(cin), 1.0 / np.sqrt(cin))
    return {"w": w, "b": b}


def _branch(key, cin, mlp):
    layers = []
    c = cin
    for i, co in enumerate(mlp):
        layers.append(_cbn(jax.random.fold_in(key, i), c, co))
        c = co
    return layers


def _params(key):
    s = S
    p = {}
    p["sa1"] = [_branch(jax.random.fold_in(key, 10 + i), 9, [32 * s, 32 * s]) for i in range(2)]
    p["sa2"] = [_branch(jax.random.fold_in(key, 20 + i), 64 * s + 3, [64 * s, 128 * s]) for i in range(2)]
    p["sa3"] = [_branch(jax.random.fold_in(key, 30 + i), 256 * s + 3, [196 * s, 256 * s]) for i in range(2)]
    p["fp3"] = _branch(jax.random.fold_in(key, 40), (512 + 256) * s, [256 * s, 256 * s])
    p["fp2"] = _branch(jax.random.fold_in(key, 41), (256 + 64) * s, [128 * s, 128 * s])
    p["fp1"] = _branch(jax.random.fold_in(key, 42), 128 * s + 6, [64 * s, 32 * s])
    p["off1"] = _cbn(jax.random.fold_in(key, 50), 32 * s, 16)
    p["off2"] = _conv(jax.random.fold_in(key, 51), 16, 3, True)
    p["dist1"] = _cbn(jax.random.fold_in(key, 52), 32 * s, 16)
    p["dist2"] = _conv(jax.random.fold_in(key, 53), 16, 1, True)
    p["cls1"] = _cbn(jax.random.fold_in(key, 54), 32 * s, 17)
    p["cls2"] = _conv(jax.random.fold_in(key, 55), 17, 17)
    return p


def index_points(points, idx):
    bidx = jnp.arange(points.shape[0]).reshape((points.shape[0],) + (1,) * (idx.ndim - 1))
    return points[bidx, idx]


def square_distance(src, dst):
    return (jnp.sum(src ** 2, -1)[:, :, None] + jnp.sum(dst ** 2, -1)[:, None, :]
            - 2.0 * jnp.einsum("bnc,bmc->bnm", src, dst))


def fps(xyz, npoint):
    xyz = jax.lax.stop_gradient(xyz)
    b, n, _ = xyz.shape

    def body(i, st):
        cent, dist, far = st
        cent = cent.at[:, i].set(far)
        c = index_points(xyz, far[:, None])
        d = jnp.sum((xyz - c) ** 2, -1)
        dist = jnp.minimum(dist, d)
        far = jnp.argmax(dist, -1).astype(jnp.int32)
        return cent, dist, far

    cent0 = jnp.zeros((b, npoint), jnp.int32)
    dist0 = jnp.full((b, n), 1e10, jnp.float32)
    far0 = jnp.zeros((b,), jnp.int32)
    cent, _, _ = jax.lax.fori_loop(0, npoint, body, (cent0, dist0, far0))
    return cent


def query_ball(radius, nsample, xyz, new_xyz):
    b, n, _ = xyz.shape
    s = new_xyz.shape[1]
    sq = jax.lax.stop_gradient(square_distance(new_xyz, xyz))
    gi = jnp.broadcast_to(jnp.arange(n, dtype=jnp.int32), (b, s, n))
    gi = jnp.where(sq > radius * radius, n, gi)
    gi = jnp.sort(gi, -1)[:, :, :nsample]
    first = jnp.broadcast_to(gi[:, :, :1], gi.shape)
    gi = jnp.where(gi == n, first, gi)
    return gi


def bn(x, g, b_, axes):
    m = jnp.mean(x, axes, keepdims=True)
    v = jnp.var(x, axes, keepdims=True)
    return (x - m) / jnp.sqrt(v + 1e-5) * g + b_


def sa_msg(xyz_t, pts_t, npoint, radii, nsamples, branches):
    xyz = jnp.transpose(xyz_t, (0, 2, 1))
    pts = jnp.transpose(pts_t, (0, 2, 1))
    new_xyz = index_points(xyz, fps(xyz, npoint))
    outs = []
    for r, ns, layers in zip(radii, nsamples, branches):
        idx = query_ball(r, ns, xyz, new_xyz)
        gx = index_points(xyz, idx) - new_xyz[:, :, None, :]
        h = jnp.concatenate([index_points(pts, idx), gx], -1)
        for L in layers:
            h = jax.nn.relu(bn(h @ L["w"] + L["b"], L["g"], L["bb"], (0, 1, 2)))
        outs.append(jnp.max(h, 2))
    npts = jnp.concatenate(outs, -1)
    return jnp.transpose(new_xyz, (0, 2, 1)), jnp.transpose(npts, (0, 2, 1))


def fp(xyz1_t, xyz2_t, pts1_t, pts2_t, layers):
    xyz1 = jnp.transpose(xyz1_t, (0, 2, 1))
    xyz2 = jnp.transpose(xyz2_t, (0, 2, 1))
    pts2 = jnp.transpose(pts2_t, (0, 2, 1))
    d = square_distance(xyz1, xyz2)
    negd, idx = jax.lax.top_k(-d, 3)
    dd = -negd
    rec = 1.0 / (dd + 1e-8)
    w = rec / jnp.sum(rec, -1, keepdims=True)
    interp = jnp.sum(index_points(pts2, idx) * w[..., None], 2)
    h = jnp.concatenate([jnp.transpose(pts1_t, (0, 2, 1)), interp], -1)
    for L in layers:
        h = jax.nn.relu(bn(h @ L["w"] + L["b"], L["g"], L["bb"], (0, 1)))
    return jnp.transpose(h, (0, 2, 1))


def forward(xyz_in, p):
    l0_points = xyz_in
    l0_xyz = xyz_in[:, :3, :]
    l1_xyz, l1_points = sa_msg(l0_xyz, l0_points, 1024, [0.025, 0.05], [32, 64], p["sa1"])
    l2_xyz, l2_points = sa_msg(l1_xyz, l1_points, 512, [0.05, 0.1], [32, 64], p["sa2"])
    l3_xyz, l3_points = sa_msg(l2_xyz, l2_points, 256, [0.1, 0.2], [32, 64], p["sa3"])
    l2_points = fp(l2_xyz, l3_xyz, l2_points, l3_points, p["fp3"])
    l1_points = fp(l1_xyz, l2_xyz, l1_points, l2_points, p["fp2"])
    l0p = fp(l0_xyz, l1_xyz, l0_points, l1_points, p["fp1"])
    h = jnp.transpose(l0p, (0, 2, 1))
    o1 = jax.nn.relu(bn(h @ p["off1"]["w"] + p["off1"]["b"], p["off1"]["g"], p["off1"]["bb"], (0, 1)))
    off = jnp.transpose(o1 @ p["off2"]["w"] + p["off2"]["b"], (0, 2, 1))
    d1 = jax.nn.relu(bn(h @ p["dist1"]["w"] + p["dist1"]["b"], p["dist1"]["g"], p["dist1"]["bb"], (0, 1)))
    dist = jnp.transpose(d1 @ p["dist2"]["w"] + p["dist2"]["b"], (0, 2, 1))
    c1 = jax.nn.relu(bn(h @ p["cls1"]["w"] + p["cls1"]["b"], p["cls1"]["g"], p["cls1"]["bb"], (0, 1)))
    cls_pred = jnp.transpose(c1 @ p["cls2"]["w"] + p["cls2"]["b"], (0, 2, 1))
    return (l0p, l3_points, l0_xyz, l3_xyz, off, dist, cls_pred)


def setup_inputs(seed: int = 0):
    key = jax.random.key(seed)
    xyz_in = jax.random.uniform(jax.random.fold_in(key, 1), (B, 6, N), jnp.float32)
    return {"xyz_in": xyz_in, "params": _params(jax.random.fold_in(key, 2))}


def reference(xyz_in, params):
    return forward(xyz_in, params)

if __name__ == "__main__":
    import jax
    _d = setup_inputs()
    print(jax.jit(kernel)(*tuple(_d.values())))

</pallas_src>

<mosaic_0001>
module attributes {stable_mosaic.version = 14 : i64} {
  func.func @_fps_body(%arg0: i32, %arg1: memref<1x3x8x2048xf32, #tpu.memory_space<vmem>>, %arg2: memref<1x3x8x128xf32, #tpu.memory_space<vmem>>) attributes {dimension_semantics = [#tpu.dimension_semantics<arbitrary>], iteration_bounds = array<i64: 2>, scalar_prefetch = 0 : i64, scratch_operands = 0 : i64, tpu.core_type = #tpu.core_type<tc>, window_params = [{transform_indices = @transform_0, window_bounds = array<i64: 1, 3, 8, 2048>}, {transform_indices = @transform_1, window_bounds = array<i64: 1, 3, 8, 128>}]} {
    %get3A = arith.constant 0 : index
    %get3A_0 = arith.constant 0 : index
    %get3A_1 = arith.constant 0 : index
    %get3A_2 = arith.constant 0 : index
    %get3A_3 = vector.load %arg1[%get3A, %get3A_0, %get3A_1, %get3A_2] : memref<1x3x8x2048xf32, #tpu.memory_space<vmem>>, vector<1x1x8x2048xf32>
    %get3A_4 = vector.shape_cast %get3A_3 : vector<1x1x8x2048xf32> to vector<8x2048xf32>
    %get3A_5 = arith.constant 0 : index
    %get3A_6 = arith.constant 1 : index
    %get3A_7 = arith.constant 0 : index
    %get3A_8 = arith.constant 0 : index
    %get3A_9 = vector.load %arg1[%get3A_5, %get3A_6, %get3A_7, %get3A_8] : memref<1x3x8x2048xf32, #tpu.memory_space<vmem>>, vector<1x1x8x2048xf32>
    %get3A_10 = vector.shape_cast %get3A_9 : vector<1x1x8x2048xf32> to vector<8x2048xf32>
    %get3A_11 = arith.constant 0 : index
    %get3A_12 = arith.constant 2 : index
    %get3A_13 = arith.constant 0 : index
    %get3A_14 = arith.constant 0 : index
    %get3A_15 = vector.load %arg1[%get3A_11, %get3A_12, %get3A_13, %get3A_14] : memref<1x3x8x2048xf32, #tpu.memory_space<vmem>>, vector<1x1x8x2048xf32>
    %get3A_16 = vector.shape_cast %get3A_15 : vector<1x1x8x2048xf32> to vector<8x2048xf32>
    %iota3A = tpu.iota {dimensions = array<i32: 0>} : vector<8x2048xi32>
    %mul3A = arith.constant 2048 : i32
    %mul3A_17 = vector.broadcast %mul3A : i32 to vector<8x2048xi32>
    %mul3A_18 = arith.muli %iota3A, %mul3A_17 : vector<8x2048xi32>
    %iota3A_19 = tpu.iota {dimensions = array<i32: 1>} : vector<8x2048xi32>
    %add3A = arith.addi %mul3A_18, %iota3A_19 : vector<8x2048xi32>
    %iota3A_20 = tpu.iota {dimensions = array<i32: 0>} : vector<8x128xi32>
    %mul3A_21 = arith.constant 128 : i32
    %mul3A_22 = vector.broadcast %mul3A_21 : i32 to vector<8x128xi32>
    %mul3A_23 = arith.muli %iota3A_20, %mul3A_22 : vector<8x128xi32>
    %iota3A_24 = tpu.iota {dimensions = array<i32: 1>} : vector<8x128xi32>
    %add3A_25 = arith.addi %mul3A_23, %iota3A_24 : vector<8x128xi32>
    %broadcast_in_dim3A = arith.constant 1.000000e+10 : f32
    %broadcast_in_dim3A_26 = vector.broadcast %broadcast_in_dim3A : f32 to vector<8x2048xf32>
    %broadcast_in_dim3A_27 = arith.constant 0.000000e+00 : f32
    %broadcast_in_dim3A_28 = vector.broadcast %broadcast_in_dim3A_27 : f32 to vector<8x128xf32>
    %scan3A = arith.constant 0 : i32
    %scan3A_29 = arith.constant 0 : i32
    %scan3A_30 = arith.constant 1024 : i32
    %scan3A_31 = arith.addi %scan3A_29, %scan3A_30 : i32
    %scan3A_32 = arith.constant 1 : i32
    %scan3A_33:5 = scf.for %scan3A_55 = %scan3A_29 to %scan3A_31 step %scan3A_32 iter_args(%scan3A_56 = %broadcast_in_dim3A_26, %scan3A_57 = %scan3A, %scan3A_58 = %broadcast_in_dim3A_28, %scan3A_59 = %broadcast_in_dim3A_28, %scan3A_60 = %broadcast_in_dim3A_28) -> (vector<8x2048xf32>, i32, vector<8x128xf32>, vector<8x128xf32>, vector<8x128xf32>)  : i32 {
      %eq3A = vector.broadcast %scan3A_57 : i32 to vector<8x2048xi32>
      %eq3A_61 = arith.cmpi eq, %add3A, %eq3A : vector<8x2048xi32>
      %jit3A = arith.constant 0.000000e+00 : f32
      %broadcast_in_dim3A_62 = vector.broadcast %jit3A : f32 to vector<8x2048xf32>
      %select_n3A = arith.select %eq3A_61, %get3A_4, %broadcast_in_dim3A_62 : vector<8x2048xi1>, vector<8x2048xf32>
      %reduce_sum3A = vector.shape_cast %select_n3A : vector<8x2048xf32> to vector<1x8x2048xf32>
      %reduce_sum3A_63 = arith.constant dense<0.000000e+00> : vector<1xf32>
      %reduce_sum3A_64 = vector.multi_reduction <add>, %reduce_sum3A, %reduce_sum3A_63 [1, 2] : vector<1x8x2048xf32> to vector<1xf32>
      %reduce_sum3A_65 = vector.shape_cast %reduce_sum3A_64 : vector<1xf32> to vector<1x1x1xf32>
      %reduce_sum3A_66 = vector.extract %reduce_sum3A_65[0, 0, 0] : f32 from vector<1x1x1xf32>
      %jit3A_67 = arith.constant 0.000000e+00 : f32
      %broadcast_in_dim3A_68 = vector.broadcast %jit3A_67 : f32 to vector<8x2048xf32>
      %select_n3A_69 = arith.select %eq3A_61, %get3A_10, %broadcast_in_dim3A_68 : vector<8x2048xi1>, vector<8x2048xf32>
      %reduce_sum3A_70 = vector.shape_cast %select_n3A_69 : vector<8x2048xf32> to vector<1x8x2048xf32>
      %reduce_sum3A_71 = arith.constant dense<0.000000e+00> : vector<1xf32>
      %reduce_sum3A_72 = vector.multi_reduction <add>, %reduce_sum3A_70, %reduce_sum3A_71 [1, 2] : vector<1x8x2048xf32> to vector<1xf32>
      %reduce_sum3A_73 = vector.shape_cast %reduce_sum3A_72 : vector<1xf32> to vector<1x1x1xf32>
      %reduce_sum3A_74 = vector.extract %reduce_sum3A_73[0, 0, 0] : f32 from vector<1x1x1xf32>
      %jit3A_75 = arith.constant 0.000000e+00 : f32
      %broadcast_in_dim3A_76 = vector.broadcast %jit3A_75 : f32 to vector<8x2048xf32>
      %select_n3A_77 = arith.select %eq3A_61, %get3A_16, %broadcast_in_dim3A_76 : vector<8x2048xi1>, vector<8x2048xf32>
      %reduce_sum3A_78 = vector.shape_cast %select_n3A_77 : vector<8x2048xf32> to vector<1x8x2048xf32>
      %reduce_sum3A_79 = arith.constant dense<0.000000e+00> : vector<1xf32>
      %reduce_sum3A_80 = vector.multi_reduction <add>, %reduce_sum3A_78, %reduce_sum3A_79 [1, 2] : vector<1x8x2048xf32> to vector<1xf32>
      %reduce_sum3A_81 = vector.shape_cast %reduce_sum3A_80 : vector<1xf32> to vector<1x1x1xf32>
      %reduce_sum3A_82 = vector.extract %reduce_sum3A_81[0, 0, 0] : f32 from vector<1x1x1xf32>
      %eq3A_83 = vector.broadcast %scan3A_55 : i32 to vector<8x128xi32>
      %eq3A_84 = arith.cmpi eq, %add3A_25, %eq3A_83 : vector<8x128xi32>
      %broadcast_in_dim3A_85 = vector.broadcast %reduce_sum3A_66 : f32 to vector<8x128xf32>
      %select_n3A_86 = arith.select %eq3A_84, %broadcast_in_dim3A_85, %scan3A_58 : vector<8x128xi1>, vector<8x128xf32>
      %broadcast_in_dim3A_87 = vector.broadcast %reduce_sum3A_74 : f32 to vector<8x128xf32>
      %select_n3A_88 = arith.select %eq3A_84, %broadcast_in_dim3A_87, %scan3A_59 : vector<8x128xi1>, vector<8x128xf32>
      %broadcast_in_dim3A_89 = vector.broadcast %reduce_sum3A_82 : f32 to vector<8x128xf32>
      %select_n3A_90 = arith.select %eq3A_84, %broadcast_in_dim3A_89, %scan3A_60 : vector<8x128xi1>, vector<8x128xf32>
      %sub3A = vector.broadcast %reduce_sum3A_66 : f32 to vector<8x2048xf32>
      %sub3A_91 = arith.subf %get3A_4, %sub3A : vector<8x2048xf32>
      %sub3A_92 = vector.broadcast %reduce_sum3A_74 : f32 to vector<8x2048xf32>
      %sub3A_93 = arith.subf %get3A_10, %sub3A_92 : vector<8x2048xf32>
      %sub3A_94 = vector.broadcast %reduce_sum3A_82 : f32 to vector<8x2048xf32>
      %sub3A_95 = arith.subf %get3A_16, %sub3A_94 : vector<8x2048xf32>
      %mul3A_96 = arith.mulf %sub3A_91, %sub3A_91 : vector<8x2048xf32>
      %mul3A_97 = arith.mulf %sub3A_93, %sub3A_93 : vector<8x2048xf32>
      %add3A_98 = arith.addf %mul3A_96, %mul3A_97 : vector<8x2048xf32>
      %mul3A_99 = arith.mulf %sub3A_95, %sub3A_95 : vector<8x2048xf32>
      %add3A_100 = arith.addf %add3A_98, %mul3A_99 : vector<8x2048xf32>
      %min3A = arith.minimumf %scan3A_56, %add3A_100 : vector<8x2048xf32>
      %reduce_max3A = vector.shape_cast %min3A : vector<8x2048xf32> to vector<1x8x2048xf32>
      %reduce_max3A_101 = arith.constant dense<0xFF800000> : vector<1xf32>
      %reduce_max3A_102 = vector.multi_reduction <maximumf>, %reduce_max3A, %reduce_max3A_101 [1, 2] : vector<1x8x2048xf32> to vector<1xf32>
      %reduce_max3A_103 = vector.shape_cast %reduce_max3A_102 : vector<1xf32> to vector<1x1x1xf32>
      %reduce_max3A_104 = vector.extract %reduce_max3A_103[0, 0, 0] : f32 from vector<1x1x1xf32>
      %eq3A_105 = vector.broadcast %reduce_max3A_104 : f32 to vector<8x2048xf32>
      %eq3A_106 = arith.cmpf oeq, %min3A, %eq3A_105 : vector<8x2048xf32>
      %jit3A_107 = arith.constant 16384 : i32
      %broadcast_in_dim3A_108 = vector.broadcast %jit3A_107 : i32 to vector<8x2048xi32>
      %select_n3A_109 = arith.select %eq3A_106, %add3A, %broadcast_in_dim3A_108 : vector<8x2048xi1>, vector<8x2048xi32>
      %reduce_min3A = vector.shape_cast %select_n3A_109 : vector<8x2048xi32> to vector<1x8x2048xi32>
      %reduce_min3A_110 = arith.constant dense<2147483647> : vector<1xi32>
      %reduce_min3A_111 = vector.multi_reduction <minsi>, %reduce_min3A, %reduce_min3A_110 [1, 2] : vector<1x8x2048xi32> to vector<1xi32>
      %reduce_min3A_112 = vector.shape_cast %reduce_min3A_111 : vector<1xi32> to vector<1x1x1xi32>
      %reduce_min3A_113 = vector.extract %reduce_min3A_112[0, 0, 0] : i32 from vector<1x1x1xi32>
      scf.yield %min3A, %reduce_min3A_113, %select_n3A_86, %select_n3A_88, %select_n3A_90 : vector<8x2048xf32>, i32, vector<8x128xf32>, vector<8x128xf32>, vector<8x128xf32>
    }
    %scan3A_34 = arith.constant 1024 : i32
    %swap3A = arith.constant 0 : index
    %swap3A_35 = arith.constant 0 : index
    %swap3A_36 = arith.constant 0 : index
    %swap3A_37 = arith.constant 0 : index
    %swap3A_38 = vector.load %arg2[%swap3A, %swap3A_35, %swap3A_36, %swap3A_37] : memref<1x3x8x128xf32, #tpu.memory_space<vmem>>, vector<1x1x8x128xf32>
    %swap3A_39 = vector.shape_cast %swap3A_38 : vector<1x1x8x128xf32> to vector<8x128xf32>
    %swap3A_40 = vector.shape_cast %scan3A_33#2 : vector<8x128xf32> to vector<1x1x8x128xf32>
    tpu.vector_store %arg2[%swap3A, %swap3A_35, %swap3A_36, %swap3A_37], %swap3A_40 {strides = array<i32>} : memref<1x3x8x128xf32, #tpu.memory_space<vmem>>, vector<1x1x8x128xf32>,
    %swap3A_41 = arith.constant 0 : index
    %swap3A_42 = arith.constant 1 : index
    %swap3A_43 = arith.constant 0 : index
    %swap3A_44 = arith.constant 0 : index
    %swap3A_45 = vector.load %arg2[%swap3A_41, %swap3A_42, %swap3A_43, %swap3A_44] : memref<1x3x8x128xf32, #tpu.memory_space<vmem>>, vector<1x1x8x128xf32>
    %swap3A_46 = vector.shape_cast %swap3A_45 : vector<1x1x8x128xf32> to vector<8x128xf32>
    %swap3A_47 = vector.shape_cast %scan3A_33#3 : vector<8x128xf32> to vector<1x1x8x128xf32>
    tpu.vector_store %arg2[%swap3A_41, %swap3A_42, %swap3A_43, %swap3A_44], %swap3A_47 {strides = array<i32>} : memref<1x3x8x128xf32, #tpu.memory_space<vmem>>, vector<1x1x8x128xf32>,
    %swap3A_48 = arith.constant 0 : index
    %swap3A_49 = arith.constant 2 : index
    %swap3A_50 = arith.constant 0 : index
    %swap3A_51 = arith.constant 0 : index
    %swap3A_52 = vector.load %arg2[%swap3A_48, %swap3A_49, %swap3A_50, %swap3A_51] : memref<1x3x8x128xf32, #tpu.memory_space<vmem>>, vector<1x1x8x128xf32>
    %swap3A_53 = vector.shape_cast %swap3A_52 : vector<1x1x8x128xf32> to vector<8x128xf32>
    %swap3A_54 = vector.shape_cast %scan3A_33#4 : vector<8x128xf32> to vector<1x1x8x128xf32>
    tpu.vector_store %arg2[%swap3A_48, %swap3A_49, %swap3A_50, %swap3A_51], %swap3A_54 {strides = array<i32>} : memref<1x3x8x128xf32, #tpu.memory_space<vmem>>, vector<1x1x8x128xf32>,
    return
  }
  func.func @transform_0(%arg0: i32) -> (i32, i32, i32, i32) {
    %c0_i32 = arith.constant 0 : i32
    %c0_i32_0 = arith.constant 0 : i32
    %c0_i32_1 = arith.constant 0 : i32
    %c0_i32_2 = arith.constant 0 : i32
    return %arg0, %c0_i32, %c0_i32_0, %c0_i32_1 : i32, i32, i32, i32
  }
  func.func @transform_1(%arg0: i32) -> (i32, i32, i32, i32) {
    %c0_i32 = arith.constant 0 : i32
    %c0_i32_0 = arith.constant 0 : i32
    %c0_i32_1 = arith.constant 0 : i32
    %c0_i32_2 = arith.constant 0 : i32
    return %arg0, %c0_i32, %c0_i32_0, %c0_i32_1 : i32, i32, i32, i32
  }
}

module attributes {stable_mosaic.version = 14 : i64} {
  func.func @_fps_body(%arg0: i32, %arg1: memref<1x3x8x128xf32, #tpu.memory_space<vmem>>, %arg2: memref<1x3x8x64xf32, #tpu.memory_space<vmem>>) attributes {dimension_semantics = [#tpu.dimension_semantics<arbitrary>], iteration_bounds = array<i64: 2>, scalar_prefetch = 0 : i64, scratch_operands = 0 : i64, tpu.core_type = #tpu.core_type<tc>, window_params = [{transform_indices = @transform_0, window_bounds = array<i64: 1, 3, 8, 128>}, {transform_indices = @transform_1, window_bounds = array<i64: 1, 3, 8, 64>}]} {
    %get3A = arith.constant 0 : index
    %get3A_0 = arith.constant 0 : index
    %get3A_1 = arith.constant 0 : index
    %get3A_2 = arith.constant 0 : index
    %get3A_3 = vector.load %arg1[%get3A, %get3A_0, %get3A_1, %get3A_2] : memref<1x3x8x128xf32, #tpu.memory_space<vmem>>, vector<1x1x8x128xf32>
    %get3A_4 = vector.shape_cast %get3A_3 : vector<1x1x8x128xf32> to vector<8x128xf32>
    %get3A_5 = arith.constant 0 : index
    %get3A_6 = arith.constant 1 : index
    %get3A_7 = arith.constant 0 : index
    %get3A_8 = arith.constant 0 : index
    %get3A_9 = vector.load %arg1[%get3A_5, %get3A_6, %get3A_7, %get3A_8] : memref<1x3x8x128xf32, #tpu.memory_space<vmem>>, vector<1x1x8x128xf32>
    %get3A_10 = vector.shape_cast %get3A_9 : vector<1x1x8x128xf32> to vector<8x128xf32>
    %get3A_11 = arith.constant 0 : index
    %get3A_12 = arith.constant 2 : index
    %get3A_13 = arith.constant 0 : index
    %get3A_14 = arith.constant 0 : index
    %get3A_15 = vector.load %arg1[%get3A_11, %get3A_12, %get3A_13, %get3A_14] : memref<1x3x8x128xf32, #tpu.memory_space<vmem>>, vector<1x1x8x128xf32>
    %get3A_16 = vector.shape_cast %get3A_15 : vector<1x1x8x128xf32> to vector<8x128xf32>
    %iota3A = tpu.iota {dimensions = array<i32: 0>} : vector<8x128xi32>
    %mul3A = arith.constant 128 : i32
    %mul3A_17 = vector.broadcast %mul3A : i32 to vector<8x128xi32>
    %mul3A_18 = arith.muli %iota3A, %mul3A_17 : vector<8x128xi32>
    %iota3A_19 = tpu.iota {dimensions = array<i32: 1>} : vector<8x128xi32>
    %add3A = arith.addi %mul3A_18, %iota3A_19 : vector<8x128xi32>
    %iota3A_20 = tpu.iota {dimensions = array<i32: 0>} : vector<8x64xi32>
    %mul3A_21 = arith.constant 64 : i32
    %mul3A_22 = vector.broadcast %mul3A_21 : i32 to vector<8x64xi32>
    %mul3A_23 = arith.muli %iota3A_20, %mul3A_22 : vector<8x64xi32>
    %iota3A_24 = tpu.iota {dimensions = array<i32: 1>} : vector<8x64xi32>
    %add3A_25 = arith.addi %mul3A_23, %iota3A_24 : vector<8x64xi32>
    %broadcast_in_dim3A = arith.constant 1.000000e+10 : f32
    %broadcast_in_dim3A_26 = vector.broadcast %broadcast_in_dim3A : f32 to vector<8x128xf32>
    %broadcast_in_dim3A_27 = arith.constant 0.000000e+00 : f32
    %broadcast_in_dim3A_28 = vector.broadcast %broadcast_in_dim3A_27 : f32 to vector<8x64xf32>
    %scan3A = arith.constant 0 : i32
    %scan3A_29 = arith.constant 0 : i32
    %scan3A_30 = arith.constant 512 : i32
    %scan3A_31 = arith.addi %scan3A_29, %scan3A_30 : i32
    %scan3A_32 = arith.constant 1 : i32
    %scan3A_33:5 = scf.for %scan3A_55 = %scan3A_29 to %scan3A_31 step %scan3A_32 iter_args(%scan3A_56 = %broadcast_in_dim3A_26, %scan3A_57 = %scan3A, %scan3A_58 = %broadcast_in_dim3A_28, %scan3A_59 = %broadcast_in_dim3A_28, %scan3A_60 = %broadcast_in_dim3A_28) -> (vector<8x128xf32>, i32, vector<8x64xf32>, vector<8x64xf32>, vector<8x64xf32>)  : i32 {
      %eq3A = vector.broadcast %scan3A_57 : i32 to vector<8x128xi32>
      %eq3A_61 = arith.cmpi eq, %add3A, %eq3A : vector<8x128xi32>
      %jit3A = arith.constant 0.000000e+00 : f32
      %broadcast_in_dim3A_62 = vector.broadcast %jit3A : f32 to vector<8x128xf32>
      %select_n3A = arith.select %eq3A_61, %get3A_4, %broadcast_in_dim3A_62 : vector<8x128xi1>, vector<8x128xf32>
      %reduce_sum3A = vector.shape_cast %select_n3A : vector<8x128xf32> to vector<1x8x128xf32>
      %reduce_sum3A_63 = arith.constant dense<0.000000e+00> : vector<1xf32>
      %reduce_sum3A_64 = vector.multi_reduction <add>, %reduce_sum3A, %reduce_sum3A_63 [1, 2] : vector<1x8x128xf32> to vector<1xf32>
      %reduce_sum3A_65 = vector.shape_cast %reduce_sum3A_64 : vector<1xf32> to vector<1x1x1xf32>
      %reduce_sum3A_66 = vector.extract %reduce_sum3A_65[0, 0, 0] : f32 from vector<1x1x1xf32>
      %jit3A_67 = arith.constant 0.000000e+00 : f32
      %broadcast_in_dim3A_68 = vector.broadcast %jit3A_67 : f32 to vector<8x128xf32>
      %select_n3A_69 = arith.select %eq3A_61, %get3A_10, %broadcast_in_dim3A_68 : vector<8x128xi1>, vector<8x128xf32>
      %reduce_sum3A_70 = vector.shape_cast %select_n3A_69 : vector<8x128xf32> to vector<1x8x128xf32>
      %reduce_sum3A_71 = arith.constant dense<0.000000e+00> : vector<1xf32>
      %reduce_sum3A_72 = vector.multi_reduction <add>, %reduce_sum3A_70, %reduce_sum3A_71 [1, 2] : vector<1x8x128xf32> to vector<1xf32>
      %reduce_sum3A_73 = vector.shape_cast %reduce_sum3A_72 : vector<1xf32> to vector<1x1x1xf32>
      %reduce_sum3A_74 = vector.extract %reduce_sum3A_73[0, 0, 0] : f32 from vector<1x1x1xf32>
      %jit3A_75 = arith.constant 0.000000e+00 : f32
      %broadcast_in_dim3A_76 = vector.broadcast %jit3A_75 : f32 to vector<8x128xf32>
      %select_n3A_77 = arith.select %eq3A_61, %get3A_16, %broadcast_in_dim3A_76 : vector<8x128xi1>, vector<8x128xf32>
      %reduce_sum3A_78 = vector.shape_cast %select_n3A_77 : vector<8x128xf32> to vector<1x8x128xf32>
      %reduce_sum3A_79 = arith.constant dense<0.000000e+00> : vector<1xf32>
      %reduce_sum3A_80 = vector.multi_reduction <add>, %reduce_sum3A_78, %reduce_sum3A_79 [1, 2] : vector<1x8x128xf32> to vector<1xf32>
      %reduce_sum3A_81 = vector.shape_cast %reduce_sum3A_80 : vector<1xf32> to vector<1x1x1xf32>
      %reduce_sum3A_82 = vector.extract %reduce_sum3A_81[0, 0, 0] : f32 from vector<1x1x1xf32>
      %eq3A_83 = vector.broadcast %scan3A_55 : i32 to vector<8x64xi32>
      %eq3A_84 = arith.cmpi eq, %add3A_25, %eq3A_83 : vector<8x64xi32>
      %broadcast_in_dim3A_85 = vector.broadcast %reduce_sum3A_66 : f32 to vector<8x64xf32>
      %select_n3A_86 = arith.select %eq3A_84, %broadcast_in_dim3A_85, %scan3A_58 : vector<8x64xi1>, vector<8x64xf32>
      %broadcast_in_dim3A_87 = vector.broadcast %reduce_sum3A_74 : f32 to vector<8x64xf32>
      %select_n3A_88 = arith.select %eq3A_84, %broadcast_in_dim3A_87, %scan3A_59 : vector<8x64xi1>, vector<8x64xf32>
      %broadcast_in_dim3A_89 = vector.broadcast %reduce_sum3A_82 : f32 to vector<8x64xf32>
      %select_n3A_90 = arith.select %eq3A_84, %broadcast_in_dim3A_89, %scan3A_60 : vector<8x64xi1>, vector<8x64xf32>
      %sub3A = vector.broadcast %reduce_sum3A_66 : f32 to vector<8x128xf32>
      %sub3A_91 = arith.subf %get3A_4, %sub3A : vector<8x128xf32>
      %sub3A_92 = vector.broadcast %reduce_sum3A_74 : f32 to vector<8x128xf32>
      %sub3A_93 = arith.subf %get3A_10, %sub3A_92 : vector<8x128xf32>
      %sub3A_94 = vector.broadcast %reduce_sum3A_82 : f32 to vector<8x128xf32>
      %sub3A_95 = arith.subf %get3A_16, %sub3A_94 : vector<8x128xf32>
      %mul3A_96 = arith.mulf %sub3A_91, %sub3A_91 : vector<8x128xf32>
      %mul3A_97 = arith.mulf %sub3A_93, %sub3A_93 : vector<8x128xf32>
      %add3A_98 = arith.addf %mul3A_96, %mul3A_97 : vector<8x128xf32>
      %mul3A_99 = arith.mulf %sub3A_95, %sub3A_95 : vector<8x128xf32>
      %add3A_100 = arith.addf %add3A_98, %mul3A_99 : vector<8x128xf32>
      %min3A = arith.minimumf %scan3A_56, %add3A_100 : vector<8x128xf32>
      %reduce_max3A = vector.shape_cast %min3A : vector<8x128xf32> to vector<1x8x128xf32>
      %reduce_max3A_101 = arith.constant dense<0xFF800000> : vector<1xf32>
      %reduce_max3A_102 = vector.multi_reduction <maximumf>, %reduce_max3A, %reduce_max3A_101 [1, 2] : vector<1x8x128xf32> to vector<1xf32>
      %reduce_max3A_103 = vector.shape_cast %reduce_max3A_102 : vector<1xf32> to vector<1x1x1xf32>
      %reduce_max3A_104 = vector.extract %reduce_max3A_103[0, 0, 0] : f32 from vector<1x1x1xf32>
      %eq3A_105 = vector.broadcast %reduce_max3A_104 : f32 to vector<8x128xf32>
      %eq3A_106 = arith.cmpf oeq, %min3A, %eq3A_105 : vector<8x128xf32>
      %jit3A_107 = arith.constant 1024 : i32
      %broadcast_in_dim3A_108 = vector.broadcast %jit3A_107 : i32 to vector<8x128xi32>
      %select_n3A_109 = arith.select %eq3A_106, %add3A, %broadcast_in_dim3A_108 : vector<8x128xi1>, vector<8x128xi32>
      %reduce_min3A = vector.shape_cast %select_n3A_109 : vector<8x128xi32> to vector<1x8x128xi32>
      %reduce_min3A_110 = arith.constant dense<2147483647> : vector<1xi32>
      %reduce_min3A_111 = vector.multi_reduction <minsi>, %reduce_min3A, %reduce_min3A_110 [1, 2] : vector<1x8x128xi32> to vector<1xi32>
      %reduce_min3A_112 = vector.shape_cast %reduce_min3A_111 : vector<1xi32> to vector<1x1x1xi32>
      %reduce_min3A_113 = vector.extract %reduce_min3A_112[0, 0, 0] : i32 from vector<1x1x1xi32>
      scf.yield %min3A, %reduce_min3A_113, %select_n3A_86, %select_n3A_88, %select_n3A_90 : vector<8x128xf32>, i32, vector<8x64xf32>, vector<8x64xf32>, vector<8x64xf32>
    }
    %scan3A_34 = arith.constant 512 : i32
    %swap3A = arith.constant 0 : index
    %swap3A_35 = arith.constant 0 : index
    %swap3A_36 = arith.constant 0 : index
    %swap3A_37 = arith.constant 0 : index
    %swap3A_38 = vector.load %arg2[%swap3A, %swap3A_35, %swap3A_36, %swap3A_37] : memref<1x3x8x64xf32, #tpu.memory_space<vmem>>, vector<1x1x8x64xf32>
    %swap3A_39 = vector.shape_cast %swap3A_38 : vector<1x1x8x64xf32> to vector<8x64xf32>
    %swap3A_40 = vector.shape_cast %scan3A_33#2 : vector<8x64xf32> to vector<1x1x8x64xf32>
    tpu.vector_store %arg2[%swap3A, %swap3A_35, %swap3A_36, %swap3A_37], %swap3A_40 {strides = array<i32>} : memref<1x3x8x64xf32, #tpu.memory_space<vmem>>, vector<1x1x8x64xf32>,
    %swap3A_41 = arith.constant 0 : index
    %swap3A_42 = arith.constant 1 : index
    %swap3A_43 = arith.constant 0 : index
    %swap3A_44 = arith.constant 0 : index
    %swap3A_45 = vector.load %arg2[%swap3A_41, %swap3A_42, %swap3A_43, %swap3A_44] : memref<1x3x8x64xf32, #tpu.memory_space<vmem>>, vector<1x1x8x64xf32>
    %swap3A_46 = vector.shape_cast %swap3A_45 : vector<1x1x8x64xf32> to vector<8x64xf32>
    %swap3A_47 = vector.shape_cast %scan3A_33#3 : vector<8x64xf32> to vector<1x1x8x64xf32>
    tpu.vector_store %arg2[%swap3A_41, %swap3A_42, %swap3A_43, %swap3A_44], %swap3A_47 {strides = array<i32>} : memref<1x3x8x64xf32, #tpu.memory_space<vmem>>, vector<1x1x8x64xf32>,
    %swap3A_48 = arith.constant 0 : index
    %swap3A_49 = arith.constant 2 : index
    %swap3A_50 = arith.constant 0 : index
    %swap3A_51 = arith.constant 0 : index
    %swap3A_52 = vector.load %arg2[%swap3A_48, %swap3A_49, %swap3A_50, %swap3A_51] : memref<1x3x8x64xf32, #tpu.memory_space<vmem>>, vector<1x1x8x64xf32>
    %swap3A_53 = vector.shape_cast %swap3A_52 : vector<1x1x8x64xf32> to vector<8x64xf32>
    %swap3A_54 = vector.shape_cast %scan3A_33#4 : vector<8x64xf32> to vector<1x1x8x64xf32>
    tpu.vector_store %arg2[%swap3A_48, %swap3A_49, %swap3A_50, %swap3A_51], %swap3A_54 {strides = array<i32>} : memref<1x3x8x64xf32, #tpu.memory_space<vmem>>, vector<1x1x8x64xf32>,
    return
  }
  func.func @transform_0(%arg0: i32) -> (i32, i32, i32, i32) {
    %c0_i32 = arith.constant 0 : i32
    %c0_i32_0 = arith.constant 0 : i32
    %c0_i32_1 = arith.constant 0 : i32
    %c0_i32_2 = arith.constant 0 : i32
    return %arg0, %c0_i32, %c0_i32_0, %c0_i32_1 : i32, i32, i32, i32
  }
  func.func @transform_1(%arg0: i32) -> (i32, i32, i32, i32) {
    %c0_i32 = arith.constant 0 : i32
    %c0_i32_0 = arith.constant 0 : i32
    %c0_i32_1 = arith.constant 0 : i32
    %c0_i32_2 = arith.constant 0 : i32
    return %arg0, %c0_i32, %c0_i32_0, %c0_i32_1 : i32, i32, i32, i32
  }
}

module attributes {stable_mosaic.version = 14 : i64} {
  func.func @_copy_kernel(%arg0: memref<2x128x16384xf32, #tpu.memory_space<vmem>>, %arg1: memref<2x128x16384xf32, #tpu.memory_space<vmem>>) attributes {dimension_semantics = [], scalar_prefetch = 0 : i64, scratch_operands = 0 : i64, tpu.core_type = #tpu.core_type<tc>} {
    %get3A = arith.constant 0 : index
    %get3A_0 = arith.constant 0 : index
    %get3A_1 = arith.constant 0 : index
    %get3A_2 = vector.load %arg0[%get3A, %get3A_0, %get3A_1] : memref<2x128x16384xf32, #tpu.memory_space<vmem>>, vector<2x128x16384xf32>
    %swap3A = arith.constant 0 : index
    %swap3A_3 = arith.constant 0 : index
    %swap3A_4 = arith.constant 0 : index
    %swap3A_5 = vector.load %arg1[%swap3A, %swap3A_3, %swap3A_4] : memref<2x128x16384xf32, #tpu.memory_space<vmem>>, vector<2x128x16384xf32>
    tpu.vector_store %arg1[%swap3A, %swap3A_3, %swap3A_4], %get3A_2 {strides = array<i32>} : memref<2x128x16384xf32, #tpu.memory_space<vmem>>, vector<2x128x16384xf32>,
    return
  }
}

</mosaic_0001>

<sc_bundles>
// kernel: sparse-core-data-format-call.1.cloned.1.call-start
scs
called_computation.1_lowered:
.L_overlay_start_0:
0x0: {  	s2 =	sld [smem:$0x3FD9]  }
0x1: {  	s3 =	sld [smem:$0x3FFE];
	_ =	sdelay $0x1  }
0x2: {  	s1 =	srdreg.scid  }
0x3: {  	s0 =	sand.u32 $0x1, s1  }
0x4: {  	s18 =	sshll.u32 s0, $0xA;
	s2 =	sadd.s32 s3, s2  }
0x5: {  	s2 =	sadd.s32 s2, s18  }
0x6: {  	[smem:$0x3F6D] =	sst s2  }
0x7: {  	_ = 	snop  }
0x8: {  	(tm) =	ssettm $0x1  }
0x9: {  	s19 =	sld [smem:$0x3FFB];
	_ =	sdelay $0x3  }
0xa: {  	_ =	strace s19  }
0xb: {  	s2 =	sld [smem:$0x3FFC];
	_ =	sdelay $0x3  }
0xc: {  	_ =	strace s2  }
0xd: {  	s2 =	sld [smem:$0x3FFD];
	_ =	sdelay $0x3  }
0xe: {  	_ =	strace s2  }
0xf: {  	_ =	strace $0x8FFFFFFF  }
0x10: {  	s20 =	sld [smem:$0x3FDB];
	_ =	sdelay $0x1  }
0x11: {  	s21 =	simm.s32 $_scs_section_size  }
0x12: {  	s4 =	simm.s32 $_size__tile_overlayer_lowered;
	s5 =	simm.s32 $_tile_overlayer_lowered  }
0x13: {  	s6 =	simm.s32 $0x1BFF;
	s22 =	sshll.u32 s5, $0x1;
	s3 =	sadd.s32 s21, s20  }
0x14: {  	s23 =	simm.s32 $0x0;
	s4 =	sshll.u32 s4, $0x1;
	s5 =	sadd.s32 s22, s3  }
0x15: {  	[timem:s23], [sflag:s6] =	dma.local [hbm:s5], s4  }
0x16: {  	_ =	swait.ge [sflag:s6], s4  }
0x17: {  	s4 =	ssub.s32 $0x0, s4;
	[sflag:s6] =	ssyncset.done $0x0  }
0x18: {  	[sflag:s6] =	ssyncadd.s32 s4;
	_ =	sdelay $0x1  }
0x19: {  	s24 =	simm.s32 $0x1B8B  }
0x1a: {  	_ =	swait.ge [sflag:s24], $0x1  }
0x1b: {  	[sflag:s24] =	ssyncset.done $0x0  }
0x1c: {  	[sflag:s24] =	ssyncadd.s32 $0xFFFFFFFF  }
0x1d: {  	s4 =	sld [smem:$0x0]  }
0x1e: {  	s5 =	sand.u32 $0xFFFFFFFE, s1  }
0x1f: {  	p0 =	sne.s32 s1, s5  }
0x20: {  	s5 =	sshll.u32 @p0 s5, $0xE  }
0x21: {  	s5 =	sadd.s32 @p0 $0x11B8D, s5;
	s6 =	sshll.u32 @p0 s4, $0x11  }
0x22: {  	s5 =	sor.u32 @p0 s6, s5  }
0x23: {  	[sflag:s5] =	ssyncadd.remote.s32 @p0 $0x1;
	_ =	sdelay $0x1  }
0x24: {  	s5 =	simm.s32 @p0 $0x1B8D  }
0x25: {  	_ =	swait.eq @p0 [sflag:s5], $0x1  }
0x26: {  	[sflag:s5] =	ssyncadd.s32 @p0 $0xFFFFFFFF  }
0x27: {  	s6 =	sshll.u32 @!p0 s1, $0xE  }
0x28: {  	s6 =	sor.u32 @!p0 $0x4000, s6;
	s5 =	simm.s32 @!p0 $0x1B8D  }
0x29: {  	s4 =	sshll.u32 @!p0 s4, $0x11;
	s6 =	sadd.s32 @!p0 $0x11B8D, s6;
	_ =	swait.eq @!p0 [sflag:s5], $0x1  }
0x2a: {  	s4 =	sor.u32 @!p0 s4, s6;
	[sflag:s5] =	ssyncadd.s32 @!p0 $0xFFFFFFFF  }
0x2b: {  	s26 =	simm.s32 $0x1B8E;
	s25 =	sld [smem:$0x3FFE];
	[sflag:s4] =	ssyncadd.remote.s32 @!p0 $0x1  }
0x2c: {  	s27 =	simm.s32 $execute0_lowered;
	[smem:$0x3FD2] =	sst s26  }
0x2d: {  	s5 =	sshll.u32 s27, $0x1;
	_ =	strace $0x8000004F;
	[dreg:$0x1] =	wrdreg $0xFFFFFFFF  }
0x2e: {  	s28 =	simm.s32 $_size_execute0_lowered;
	s3 =	sadd.s32 s3, s5;
	[dreg:$0x0] =	wrdreg $0x0  }
0x2f: {  	s5 =	sshll.u32 s28, $0x1;
	[dreg:$0x2] =	wrdreg s3  }
0x30: {  	[dreg:$0x3] =	wrdreg s5  }
0x31: {  	[dreg:$0x4] =	wrdreg $0xC0  }
0x32: {  	_ =	task [dreg:s23], $0x5FFFF  }
0x33: {  	[dreg:$0x1] =	wrdreg $0xFFFFFFFF  }
0x34: {  	[dreg:$0x0] =	wrdreg $0x60  }
0x35: {  	[dreg:$0x2] =	wrdreg s25  }
0x36: {  	[dreg:$0x3] =	wrdreg $0x9  }
0x37: {  	_ =	task.clear_ibuf [dreg:s23], $0x4FFFF;
	_ =	strace $0x9000004F  }
0x38: {  	s29 =	simm.s32 $0x9;
	_ =	strace $0x80000051  }
0x39: {  	_ =	swait.ge [sflag:s29], $0x1  }
0x3a: {  	[sflag:s29] =	ssyncadd.s32 $0xFFFFFFFF  }
0x3b: {  	_ =	strace $0x90000051  }
0x3c: {  	_ =	sfence  }
0x3d: {  	s30 =	sld [smem:$0x0];
	_ =	sdelay $0x2  }
0x3e: {  	s31 =	sshll.u32 s1, $0xD;
	s1 =	sshrl.u32 s1, $0x2  }
0x3f: {  	s4 =	sand.u32 $0x4000, s31;
	s1 =	sadd.s32 s1, s30  }
0x40: {  	s0 =	sor.u32 s4, s0;
	s1 =	sshll.u32 s1, $0x11  }
0x41: {  	s0 =	sor.u32 s1, s0  }
0x42: {  	s0 =	sadd.s32 $0x8F2B, s0  }
0x43: {  	[sflag:s0] =	ssyncadd.remote.s32 $0x1  }
0x44: {  	_ =	sfence.sel $0xFFFF  }
0x45: {  	[dreg:$0x0] =	wrdreg $0xFFFFFFFF;
	(pc) =	sbr.abs _section_cstart, $3  }
0x46: {  	[dreg:$0x1] =	wrdreg $0xFFFFFFFF  }
0x47: {  	_ =	task.clear_ibuf [dreg:s23], $0x2FFFF;
	_ =	strace $0x9FFFFFFF  }
0x48: {  	(tm) =	ssettm $0x7FFFFFFF  }
0x49: {  	_ =	shalt  }
tec
execute0_lowered:
.L_overlay_start_1:
0x0: {  	(tag) =	ssettag $0x1  }
0x1: {  	s0 =	stileid.u32  }
0x2: {  	s1 =	srdreg.scid;
	s5 =	rddreg [dreg:$0x0];
	s31 =	simm.s32 $0x2  }
0x3: {  	s16 =	simm.s32 $0x0;
	s2 =	sshll.u32 s0, $0x6;
	s1 =	sshll.u32 s1, $0xA  }
0x4: {  	s9 =	simm.s32 $0x20000;
	s14 =	simm.s32 $0x0;
	s1 =	sor.u32 s2, s1  }
0x5: {  	s15 =	simm.s32 $0x0;
	s10 =	simm.s32 $0x0;
	s1 =	sand.u32 $0x780, s1  }
0x6: {  	s13 =	simm.s32 $0x0;
	s2 =	sand.u32 $0x1, s0;
	s3 =	ssub.s32 $0x4000, s1  }
0x7: {  	s4 =	ssub.s32 $0x2, s2;
	s12 =	smov.u32 s2;
	s6 =	sand.u32 $0x780, s3  }
0x8: {  	s7 =	sshrl.u32 s4, $0x1;
	p0 =	sne.s32 s6, $0x0;
	s6 =	simm.s32 $0x1  }
0x9: {  	s4 =	sand.u32 $0x1, s4;
	s8 =	sshrl.u32 s3, $0xB;
	s6 =	simm.s32 @!p0 $0x0  }
.Ltmp0:
0xa: {  	s4 =	sadd.s32 s4, s7;
	s6 =	sadd.s32 s6, s8;
	(pc) =	sbr.rel .LBB1_1-.Ltmp0, $4  }
0xb: {  	s11 =	smov.u32 s1;
	s3 =	rddreg [dreg:$0x1];
	s7 =	smul.u32 s6, s4  }
0xc: {  	_ =	strace $0x80000050;
	p0 =	por $0x0, $0x0;
	s6 =	simm.s32 $0x1  }
0xd: {  	s4 =	sadd.s32 $0x640400, s5;
	[sflag:s6] =	ssyncpa.u1 $0x0;
	s7 =	sshll.u32 s7, $0x3  }
0xe: {  	s5 =	sadd.s32 $0xA40400, s5;
	[sflag:s31] =	ssyncpa.u1 $0x0;
	s8 =	sor.u32 $0x1, s7  }
.LBB1_4:
0xf: {  	v5 =	vld [tilespmem:s19+$0xFFFFFFD0]  }
0x10: {  	[tilespmem:s20+$0x2040 ss:$0x81] =	vst.msk $0xffff, v1;
	v58 =	vld [tilespmem:s19+$0xFFFFFFE0]  }
0x11: {  	[tilespmem:s20+$0x2850 ss:$0x81] =	vst.msk $0xffff, v2;
	v59 =	vld [tilespmem:s19+$0xFFFFFFF0]  }
0x12: {  	s21 =	sshra.s32 s21, $0x2;
	[tilespmem:s20+$0x3060 ss:$0x81] =	vst.msk $0xffff, v3;
	v60 =	vld [tilespmem:s19+$0x0]  }
0x13: {  	[tilespmem:s20+$0x0 ss:$0x81] =	vst.msk $0xffff, v0;
	v61 =	vld [tilespmem:s19+$0x10];
	s18 =	sadd.s32 s21, s18  }
0x14: {  	s26 =	sshll.u32 s16, $0xE;
	v62 =	vld [tilespmem:s19+$0x20];
	[tilespmem:s18+$0x3870 ss:$0x81] =	vst.msk $0xffff, v4  }
0x15: {  	s27 =	sand.u32 $0x78, s14;
	s22 =	sshll.u32 s14, $0x3;
	v63 =	vld [tilespmem:s19+$0xFFFFFFC0];
	s29 =	sshll.u32 s16, $0x7;
	[tilespmem:s18+$0x810 ss:$0x81] =	vst.msk $0xffff, v5  }
0x16: {  	s15 =	sshll.u32 s15, $0x15;
	s20 =	sand.u32 $0xFE0000, s26;
	s28 =	sand.u32 $0xFFFC00, s22;
	[tilespmem:s18+$0x1020 ss:$0x81] =	vst.msk $0xffff, v58  }
0x17: {  	s31 =	sand.u32 $0x7, s14;
	s22 =	sand.u32 $0x3C00, s22;
	s19 =	sadd.s32 s28, s20;
	[tilespmem:s18+$0x1830 ss:$0x81] =	vst.msk $0xffff, v59  }
0x18: {  	s16 =	sand.u32 $0x380, s29;
	s30 =	sor.u32 s27, s22;
	s19 =	sshrl.u32 s19, $0x3;
	[tilespmem:s18+$0x2040 ss:$0x81] =	vst.msk $0xffff, v60  }
0x19: {  	s15 =	sadd.s32 s5, s15;
	s16 =	sor.u32 s16, s30;
	s19 =	sand.u32 $0x1FF800, s19;
	[tilespmem:s18+$0x2850 ss:$0x81] =	vst.msk $0xffff, v61  }
0x1a: {  	s14 =	sshll.u32 s31, $0x12;
	s16 =	sshrl.u32 s16, $0x3;
	[tilespmem:s18+$0x3060 ss:$0x81] =	vst.msk $0xffff, v62;
	s15 =	sadd.s32 s19, s15  }
0x1b: {  	s14 =	sor.u32 $0x400, s14;
	[tilespmem:s18+$0x0 ss:$0x81] =	vst.msk $0xffff, v63;
	s15 =	sadd.s32 s16, s15  }
0x1c: {  	[hbm4b:s15+s14] =	stream.strided.scatter [tilespmem:s17], [sflag:$0x2], $0x4000, s9, s14, $0x20;
	[tilespmem:$0x10100] =	vst v63  }
.LBB1_5:
0x1d: {  	s17 =	sadd.s32 $0x80, s10  }
0x1e: {  	s14 =	sadd.s32 $0x800, s11;
	s18 =	smov.u32 s11;
	p2 =	sgt.s32 s17, $0x3FF  }
0x1f: {  	s18 =	smov.u32 @p2 s14  }
0x20: {  	s20 =	smov.u32 s12;
	s14 =	sadd.s32 $0x2, s12;
	p3 =	sgt.s32 s18, $0x3FFF  }
0x21: {  	s20 =	smov.u32 @p3 s14  }
0x22: {  	s17 =	simm.s32 @p2 $0x0;
	p2 =	sgt.s32 s20, $0x1  }
0x23: {  	p1 =	slt.u32 s13, $0x2;
	s20 =	smov.u32 @p2 s2;
	p2 =	sne.s32 s13, s8  }
.Ltmp1:
0x24: {  	s19 =	simm.s32 @!p1 $0x2;
	(pc) =	sbr.rel @!p2 .LBB1_6-.Ltmp1, $4  }
0x25: {  	s16 =	smov.u32 s10;
	s15 =	smov.u32 s12;
	_ =	swait.ge @!p1 [sflag:s19], $0x4000  }
0x26: {  	p0 =	por !p0, !p0;
	[sflag:s19] =	ssyncset.done @!p1 $0x0;
	s10 =	smov.u32 s17  }
0x27: {  	s18 =	smov.u32 @p3 s1;
	s14 =	smov.u32 s11;
	[sflag:s19] =	ssyncadd.s32 @!p1 $0xFFFFC000  }
0x28: {  	s11 =	smov.u32 s18;
	s13 =	sadd.s32 $0x1, s13;
	s12 =	smov.u32 s20  }
.LBB1_1:
0x29: {  	p1 =	sge.u32 s13, s7  }
0x2a: {  	s31 =	sadd.s32 $0xFFFFFFFF, s13;
	s17 =	sshll.u32 @!p1 s11, $0x7  }
0x2b: {  	s18 =	sxor.u32 @!p1 $0xFFFFFFFF, s13;
	s19 =	sand.u32 @!p1 $0x78, s10;
	s20 =	sand.u32 @!p1 $0x380, s17  }
0x2c: {  	s18 =	sshll.u32 @!p1 s18, $0xE;
	s19 =	sor.u32 @!p1 s19, s20;
	s20 =	sshll.u32 @!p1 s12, $0x15  }
0x2d: {  	s17 =	sand.u32 @!p1 $0x1FFC00, s17;
	s19 =	sshrl.u32 @!p1 s19, $0x3;
	s20 =	sadd.s32 @!p1 s4, s20  }
0x2e: {  	s17 =	sadd.s32 @!p1 s10, s17;
	s19 =	sadd.s32 @!p1 s19, s20;
	s20 =	sand.u32 @!p1 $0x7, s10  }
0x2f: {  	s18 =	sand.u32 @!p1 $0x4000, s18;
	s17 =	sand.u32 @!p1 $0x1FFF80, s17;
	s20 =	sshll.u32 @!p1 s20, $0x12  }
0x30: {  	s17 =	sadd.s32 @!p1 s17, s19;
	s19 =	sor.u32 @!p1 $0x400, s20;
	s20 =	simm.s32 @!p1 $0x2000  }
0x31: {  	[tilespmem:s18], [sflag:$0x1] =	stream.strided.gather @!p1 [hbm4b:s17+s19], $0x4000, s20, s19, $0x38;
	[tilespmem:$0x10100] =	vst v63  }
0x32: {  	p1 =	sge.u32 s31, s7  }
.Ltmp2:
0x33: {  	_ = 	snop;
	(pc) =	sbr.rel @p1 .LBB1_5-.Ltmp2, $1  }
0x34: {  	_ =	sdelay $0x3  }
0x35: {  	s17 =	simm.s32 $0x1  }
0x36: {  	_ =	swait.ge [sflag:s6], $0x4000;
	s17 =	simm.s32 @!p0 $0x0  }
0x37: {  	[sflag:s6] =	ssyncset.done $0x0;
	s18 =	sshll.u32 s17, $0xE  }
0x38: {  	[sflag:s6] =	ssyncadd.s32 $0xFFFFC000;
	s19 =	sor.u32 $0x40, s18  }
0x39: {  	s17 =	smul.u32 $0x10200, s17;
	v0 =	vld [tilespmem:s19+$0x30]  }
0x3a: {  	v3 =	vld [tilespmem:s19+$0xFFFFFFD0]  }
0x3b: {  	s17 =	sshrl.u32 s17, $0x2;
	v4 =	vld [tilespmem:s19+$0xFFFFFFE0]  }
0x3c: {  	v5 =	vld [tilespmem:s19+$0xFFFFFFF0];
	s18 =	sor.u32 $0x8000, s17  }
0x3d: {  	s31 =	sand.u32 $0x1, s13;
	v1 =	vld [tilespmem:s19+$0x0];
	s20 =	sadd.s32 $0x0, s18  }
0x3e: {  	v2 =	vld [tilespmem:s19+$0x10];
	s17 =	smul.u32 $0x10200, s31;
	[tilespmem:s20+$0x3870 ss:$0x81] =	vst.msk $0xffff, v0  }
0x3f: {  	[tilespmem:s20+$0x810 ss:$0x81] =	vst.msk $0xffff, v3;
	v3 =	vld [tilespmem:s19+$0x20]  }
0x40: {  	s17 =	sshrl.u32 s17, $0x2;
	v0 =	vld [tilespmem:s19+$0xFFFFFFC0];
	[tilespmem:s20+$0x1020 ss:$0x81] =	vst.msk $0xffff, v4;
	s19 =	sadd.s32 $0x80, s19  }
0x41: {  	s21 =	simm.s32 $0x4;
	s22 =	simm.s32 $0x8;
	s17 =	sor.u32 $0x8000, s17;
	[tilespmem:s20+$0x1830 ss:$0x81] =	vst.msk $0xffff, v5;
	v4 =	vld [tilespmem:s19+$0x30]  }
.LBB1_3:
0x42: {  	p1 =	sne.s32 s22, $0x1FC;
	v5 =	vld [tilespmem:s19+$0xFFFFFFD0];
	[tilespmem:s20+$0x2040 ss:$0x81] =	vst.msk $0xffff, v1  }
0x43: {  	v6 =	vld [tilespmem:s19+$0xFFFFFFE0];
	[tilespmem:s20+$0x2850 ss:$0x81] =	vst.msk $0xffff, v2  }
0x44: {  	s23 =	sshra.s32 s21, $0x2;
	s21 =	smov.u32 s22;
	v7 =	vld [tilespmem:s19+$0xFFFFFFF0];
	[tilespmem:s20+$0x3060 ss:$0x81] =	vst.msk $0xffff, v3  }
.Ltmp3:
0x45: {  	v1 =	vld [tilespmem:s19+$0x0];
	[tilespmem:s20+$0x0 ss:$0x81] =	vst.msk $0xffff, v0;
	s20 =	sadd.s32 s23, s18;
	(pc) =	sbr.rel @p1 .LBB1_3-.Ltmp3, $4  }
0x46: {  	v2 =	vld [tilespmem:s19+$0x10];
	[tilespmem:s20+$0x3870 ss:$0x81] =	vst.msk $0xffff, v4  }
0x47: {  	[tilespmem:s20+$0x810 ss:$0x81] =	vst.msk $0xffff, v5;
	v3 =	vld [tilespmem:s19+$0x20]  }
0x48: {  	v0 =	vld [tilespmem:s19+$0xFFFFFFC0];
	[tilespmem:s20+$0x1020 ss:$0x81] =	vst.msk $0xffff, v6;
	s19 =	sadd.s32 $0x80, s19  }
0x49: {  	s22 =	sadd.s32 $0x4, s22;
	v4 =	vld [tilespmem:s19+$0x30];
	[tilespmem:s20+$0x1830 ss:$0x81] =	vst.msk $0xffff, v7  }
.Ltmp4:
0x4a: {  	_ = 	snop;
	(pc) =	sbr.rel .LBB1_4-.Ltmp4, $1  }
0x4b: {  	_ =	sdelay $0x3  }
.LBB1_6:
0x4c: {  	_ =	sfence.sel $0x180000  }
0x4d: {  	s1 =	simm.s32 $0x1;
	[bflag:$0x0] =	sbarrier.arrive $0xFFFF  }
0x4e: {  	s31 =	simm.s32 $0x2;
	[sflag:s1] =	ssyncpa.u1 $0x1  }
0x4f: {  	[sflag:s31] =	ssyncpa.u1 $0x1  }
0x50: {  	p0 =	sne.s32 s0, $0x0;
	_ =	strace $0x90000050  }
0x51: {  	s0 =	sadd.s32 @!p0 $0x100000, s3;
	[bflag:$0x2] =	sbarrier.arrive $0xFFFF  }
0x52: {  	[sflag:s0] =	ssyncadd.tile.s32 @!p0 $0x1;
	_ =	shalt  }
.Lfunc_end1:
_tile_overlayer_lowered:
.L_overlay_start_2:
0x53: {  	(tag) =	ssettag $0x2  }
0x54: {  	s0 =	rddreg [dreg:$0x0];
	s2 =	stileid.u32  }
0x55: {  	s1 =	rddreg [dreg:$0x1];
	p0 =	sne.s32 s2, $0x0  }
0x56: {  	s3 =	rddreg [dreg:$0x2];
	[bflag:$0x3] =	sbarrier.arrive $0xFFFF;
	s2 =	simm.s32 @!p0 $0x1C01  }
0x57: {  	[timem:s3], [sflag:s2] =	dma.local @!p0 [hbm:s0], s1  }
0x58: {  	s0 =	simm.s32 @!p0 $0x1  }
0x59: {  	_ =	swait.ge @!p0 [sflag:s0], s1  }
0x5a: {  	s1 =	ssub.s32 @!p0 $0x0, s1;
	[sflag:s0] =	ssyncset.done @!p0 $0x0  }
0x5b: {  	[sflag:s0] =	ssyncadd.s32 @!p0 s1  }
0x5c: {  	[bflag:$0x3] =	sbarrier.arrive $0xFFFF  }
0x5d: {  	_ =	shalt  }

// kernel: sparse-core-data-format-call.2.cloned.1.call-start
scs
called_computation.2_lowered:
.L_overlay_start_0:
0x0: {  	s1 =	sld [smem:$0x3FD9]  }
0x1: {  	s2 =	sld [smem:$0x3FFE];
	_ =	sdelay $0x1  }
0x2: {  	s3 =	srdreg.scid  }
0x3: {  	s0 =	sand.u32 $0x1, s3  }
0x4: {  	s17 =	sshll.u32 s0, $0xA;
	s1 =	sadd.s32 s2, s1  }
0x5: {  	s1 =	sadd.s32 s1, s17  }
0x6: {  	[smem:$0x3F6D] =	sst s1  }
0x7: {  	_ = 	snop  }
0x8: {  	(tm) =	ssettm $0x1  }
0x9: {  	s18 =	sld [smem:$0x3FFB];
	_ =	sdelay $0x3  }
0xa: {  	_ =	strace s18  }
0xb: {  	s1 =	sld [smem:$0x3FFC];
	_ =	sdelay $0x3  }
0xc: {  	_ =	strace s1  }
0xd: {  	s1 =	sld [smem:$0x3FFD];
	_ =	sdelay $0x3  }
0xe: {  	_ =	strace s1  }
0xf: {  	_ =	strace $0x8FFFFFFF  }
0x10: {  	s19 =	sld [smem:$0x3FDB];
	_ =	sdelay $0x1  }
0x11: {  	s20 =	simm.s32 $_scs_section_size  }
0x12: {  	s4 =	simm.s32 $_size__tile_overlayer_lowered;
	s5 =	simm.s32 $_tile_overlayer_lowered  }
0x13: {  	s23 =	simm.s32 $0x1BFF;
	s22 =	sshll.u32 s5, $0x1;
	s1 =	sadd.s32 s20, s19  }
0x14: {  	s6 =	simm.s32 $0x0;
	s21 =	sshll.u32 s4, $0x1;
	s4 =	sadd.s32 s22, s1  }
0x15: {  	[timem:s6], [sflag:s23] =	dma.local [hbm:s4], s21  }
0x16: {  	_ =	swait.ge [sflag:s23], s21  }
0x17: {  	s2 =	ssub.s32 $0x0, s21;
	[sflag:s23] =	ssyncset.done $0x0  }
0x18: {  	[sflag:s23] =	ssyncadd.s32 s2;
	_ =	sdelay $0x1  }
0x19: {  	s24 =	simm.s32 $0x1B8B  }
0x1a: {  	_ =	swait.ge [sflag:s24], $0x1  }
0x1b: {  	[sflag:s24] =	ssyncset.done $0x0  }
0x1c: {  	s26 =	simm.s32 $0x1B8E;
	s25 =	sld [smem:$0x3FFE];
	[sflag:s24] =	ssyncadd.s32 $0xFFFFFFFF  }
0x1d: {  	s27 =	simm.s32 $execute0_lowered;
	[smem:$0x3FD2] =	sst s26  }
0x1e: {  	s4 =	sshll.u32 s27, $0x1;
	_ =	strace $0x80000049;
	[dreg:$0x1] =	wrdreg $0xFFFFFFFF  }
0x1f: {  	s28 =	simm.s32 $_size_execute0_lowered;
	s1 =	sadd.s32 s1, s4;
	[dreg:$0x0] =	wrdreg $0x0  }
0x20: {  	s4 =	sshll.u32 s28, $0x1;
	[dreg:$0x2] =	wrdreg s1  }
0x21: {  	[dreg:$0x3] =	wrdreg s4  }
0x22: {  	[dreg:$0x4] =	wrdreg $0xC0  }
0x23: {  	_ =	task [dreg:s6], $0x5FFFF  }
0x24: {  	[dreg:$0x1] =	wrdreg $0xFFFFFFFF  }
0x25: {  	[dreg:$0x0] =	wrdreg $0x60  }
0x26: {  	[dreg:$0x2] =	wrdreg s25  }
0x27: {  	[dreg:$0x3] =	wrdreg $0xA  }
0x28: {  	_ =	task.clear_ibuf [dreg:s6], $0x4FFFF;
	_ =	strace $0x90000049  }
0x29: {  	s29 =	simm.s32 $0xA;
	_ =	strace $0x8000004B  }
0x2a: {  	_ =	swait.ge [sflag:s29], $0x1  }
0x2b: {  	[sflag:s29] =	ssyncadd.s32 $0xFFFFFFFF  }
0x2c: {  	_ =	strace $0x9000004B  }
0x2d: {  	_ =	sfence  }
0x2e: {  	s30 =	sld [smem:$0x0];
	_ =	sdelay $0x2  }
0x2f: {  	s31 =	sshll.u32 s3, $0xD;
	s3 =	sshrl.u32 s3, $0x2  }
0x30: {  	s2 =	sand.u32 $0x4000, s31;
	s1 =	sadd.s32 s3, s30  }
0x31: {  	s0 =	sor.u32 s2, s0;
	s1 =	sshll.u32 s1, $0x11  }
0x32: {  	s0 =	sor.u32 s1, s0  }
0x33: {  	s0 =	sadd.s32 $0x8F2B, s0  }
0x34: {  	[sflag:s0] =	ssyncadd.remote.s32 $0x1  }
0x35: {  	_ =	sfence.sel $0xFFFF  }
0x36: {  	[dreg:$0x0] =	wrdreg $0xFFFFFFFF;
	(pc) =	sbr.abs _section_cstart, $3  }
0x37: {  	[dreg:$0x1] =	wrdreg $0xFFFFFFFF  }
0x38: {  	_ =	task.clear_ibuf [dreg:s6], $0x2FFFF;
	_ =	strace $0x9FFFFFFF  }
0x39: {  	(tm) =	ssettm $0x7FFFFFFF  }
tec
execute0_lowered:
.L_overlay_start_1:
0x0: {  	(tag) =	ssettag $0x1  }
0x1: {  	s0 =	srdreg.scid  }
0x2: {  	s9 =	rddreg [dreg:$0x0];
	s1 =	stileid.u32  }
0x3: {  	s31 =	simm.s32 $0x2;
	s20 =	simm.s32 $0x0;
	s11 =	simm.s32 $0x400  }
0x4: {  	s18 =	simm.s32 $0x0;
	s17 =	simm.s32 $0x0;
	s19 =	simm.s32 $0x0  }
0x5: {  	s12 =	simm.s32 $0x0;
	s16 =	simm.s32 $0x0;
	s2 =	sshll.u32 s0, $0x4  }
0x6: {  	s0 =	rddreg [dreg:$0x1];
	s4 =	sshll.u32 s1, $0x6;
	s3 =	sor.u32 s1, s2  }
0x7: {  	_ =	strace $0x8000004A;
	s2 =	sand.u32 $0x1, s1;
	s5 =	sshrl.u32 s3, $0x1  }
0x8: {  	s3 =	sand.u32 $0x80, s4;
	s28 =	ssub.s32 $0x2, s2;
	s4 =	sand.u32 $0xE, s5  }
0x9: {  	s6 =	sshrl.u32 s28, $0x1;
	s5 =	sand.u32 $0x1, s28;
	s7 =	ssub.s32 $0x100, s3  }
0xa: {  	s5 =	sadd.s32 s5, s6;
	s29 =	sshrl.u32 s7, $0x7;
	s8 =	ssub.s32 $0x20, s4  }
0xb: {  	s7 =	sshrl.u32 s7, $0x8;
	s6 =	sand.u32 $0x1, s29;
	s10 =	sand.u32 $0xE, s8  }
0xc: {  	s6 =	sadd.s32 s7, s6;
	p0 =	sne.s32 s10, $0x0;
	s7 =	simm.s32 $0x1  }
0xd: {  	s8 =	sshrl.u32 s8, $0x4;
	s7 =	simm.s32 @!p0 $0x0;
	s30 =	smul.u32 s6, s5  }
.Ltmp0:
0xe: {  	s15 =	smov.u32 s2;
	s7 =	sadd.s32 s7, s8;
	(pc) =	sbr.rel .LBB1_1-.Ltmp0, $4  }
0xf: {  	s14 =	smov.u32 s3;
	s13 =	smov.u32 s4;
	s8 =	smul.u32 s7, s30  }
0x10: {  	s5 =	sadd.s32 $0x40400, s9;
	s6 =	simm.s32 $0x1;
	p0 =	por $0x0, $0x0  }
0x11: {  	[sflag:s6] =	ssyncpa.u1 $0x0;
	s7 =	sadd.s32 $0x140400, s9;
	s8 =	sshll.u32 s8, $0x3  }
0x12: {  	[sflag:s31] =	ssyncpa.u1 $0x0;
	s9 =	sadd.s32 $0x144400, s9;
	s10 =	sor.u32 $0x1, s8  }
.LBB1_4:
0x13: {  	v11 =	vld [tilespmem:s25+$0xFFFFFFE0];
	v12 =	vcombine.low v6, v7  }
0x14: {  	v3 =	vperm.xlane.i2c.b16 v3;
	[tilespmem:s26+$0x3870 ss:$0x81] =	vst.msk $0xffff, v9;
	v45 =	vld [tilespmem:s25+$0xFFFFFFF0];
	v4 =	vperm.xlane.i2c.b16 v4  }
0x15: {  	v46 =	vcombine.high v6, v7;
	[tilespmem:s24+$0x2040 ss:$0x81] =	vst.msk $0xffff, v10;
	v47 =	vld [tilespmem:s25+$0x0];
	v5 =	vperm.xlane.i2c.b16 v5  }
0x16: {  	v49 =	vld [tilespmem:s25+$0x10];
	v1 =	vperm.xlane.i2c.b16 v1;
	[tilespmem:s26+$0x810 ss:$0x81] =	vst.msk $0xffff, v12;
	v48 =	vcombine.low v8, v3  }
0x17: {  	v51 =	vld [tilespmem:s25+$0xFFFFFFC0];
	v58 =	vperm.xlane.i2c.b16 v2;
	v50 =	vcombine.low v4, v0;
	[tilespmem:s26+$0x2850 ss:$0x81] =	vst.msk $0xffff, v46  }
0x18: {  	s29 =	sshra.s32 s27, $0x2;
	v3 =	vcombine.high v8, v3;
	v52 =	vcombine.low v1, v5;
	[tilespmem:s26+$0x1020 ss:$0x81] =	vst.msk $0xffff, v48  }
0x19: {  	s23 =	sadd.s32 s29, s23;
	v1 =	vcombine.high v1, v5;
	v55 =	vcombine.high v4, v0;
	[tilespmem:s26+$0x0 ss:$0x81] =	vst.msk $0xffff, v50  }
0x1a: {  	[tilespmem:s23+$0x1830 ss:$0x81] =	vst.msk $0xffff, v52;
	v11 =	vperm.xlane.i2c.b16 v11;
	v53 =	vperm.xlane.i2c.b16 v45  }
0x1b: {  	[tilespmem:s26+$0x3060 ss:$0x81] =	vst.msk $0xffff, v3;
	v54 =	vperm.xlane.i2c.b16 v47;
	v57 =	vperm.xlane.i2c.b16 v49  }
0x1c: {  	s30 =	sshll.u32 s20, $0x8;
	s31 =	sshll.u32 s17, $0x3;
	s19 =	sshll.u32 s19, $0x13;
	[tilespmem:s23+$0x3870 ss:$0x81] =	vst.msk $0xffff, v1;
	v60 =	vperm.xlane.i2c.b16 v51;
	v56 =	vcombine.low v11, v53  }
0x1d: {  	s18 =	sshll.u32 s18, $0xE;
	s27 =	sshrl.u32 s17, $0x3;
	s24 =	sand.u32 $0x3F800, s30;
	[tilespmem:s26+$0x2040 ss:$0x81] =	vst.msk $0xffff, v55;
	v61 =	vcombine.low v54, v57  }
0x1e: {  	s25 =	sand.u32 $0x3FC00, s31;
	s28 =	sadd.s32 s19, s18;
	s26 =	sshll.u32 s20, $0x7;
	v63 =	vcombine.low v60, v58;
	[tilespmem:s23+$0x810 ss:$0x81] =	vst.msk $0xffff, v56  }
0x1f: {  	s29 =	sand.u32 $0x7, s17;
	s24 =	sadd.s32 s25, s24;
	s20 =	sand.u32 $0x300, s26;
	v59 =	vcombine.high v11, v53;
	[tilespmem:s23+$0x1020 ss:$0x81] =	vst.msk $0xffff, v61  }
0x20: {  	s19 =	sadd.s32 s19, s9;
	s25 =	sadd.s32 s7, s28;
	v62 =	vcombine.high v54, v57;
	s20 =	sor.u32 s20, s24;
	[tilespmem:s23+$0x0 ss:$0x81] =	vst.msk $0xffff, v63  }
0x21: {  	s17 =	sshll.u32 s29, $0x12;
	v0 =	vcombine.high v60, v58;
	s24 =	sand.u32 $0xF, s27;
	s20 =	sshrl.u32 s20, $0x4;
	[tilespmem:s23+$0x2850 ss:$0x81] =	vst.msk $0xffff, v59  }
0x22: {  	s18 =	sadd.s32 s18, s19;
	s25 =	sadd.s32 s24, s25;
	s20 =	sand.u32 $0x3FF0, s20;
	[tilespmem:s23+$0x3060 ss:$0x81] =	vst.msk $0xffff, v62  }
0x23: {  	s17 =	sor.u32 $0x200, s17;
	s18 =	sadd.s32 s24, s18;
	[tilespmem:s23+$0x2040 ss:$0x81] =	vst.msk $0xffff, v0;
	s30 =	sadd.s32 s20, s25  }
0x24: {  	[hbm4b:s30+s17] =	stream.strided.scatter [tilespmem:s22], [sflag:$0x2], $0x2000, s11, s17, $0x20;
	[tilespmem:$0x10100] =	vst v63  }
0x25: {  	s31 =	sadd.s32 $0xA040, s21;
	s18 =	sadd.s32 s20, s18  }
0x26: {  	[hbm4b:s18+s17] =	stream.strided.scatter [tilespmem:s31], [sflag:$0x2], $0x2000, s11, s17, $0x20;
	[tilespmem:$0x10100] =	vst v63  }
.LBB1_5:
0x27: {  	s21 =	sadd.s32 $0x80, s12  }
0x28: {  	s17 =	sadd.s32 $0x10, s13;
	s22 =	smov.u32 s13;
	p2 =	sgt.s32 s21, $0x3FF  }
0x29: {  	s22 =	smov.u32 @p2 s17  }
0x2a: {  	s23 =	smov.u32 s14;
	s17 =	sadd.s32 $0x100, s14;
	p3 =	sgt.s32 s22, $0x1F  }
0x2b: {  	s23 =	smov.u32 @p3 s17  }
0x2c: {  	s24 =	smov.u32 s15;
	s17 =	sadd.s32 $0x2, s15;
	p4 =	sgt.s32 s23, $0xFF  }
0x2d: {  	p1 =	slt.u32 s16, $0x2;
	s24 =	smov.u32 @p4 s17  }
0x2e: {  	s20 =	smov.u32 s12;
	s21 =	simm.s32 @p2 $0x0;
	p2 =	sgt.s32 s24, $0x1  }
0x2f: {  	s25 =	simm.s32 @!p1 $0x2;
	s24 =	smov.u32 @p2 s2;
	p2 =	sne.s32 s16, s10  }
.Ltmp1:
0x30: {  	s18 =	smov.u32 s13;
	_ =	swait.ge @!p1 [sflag:s25], $0x4000;
	(pc) =	sbr.rel @!p2 .LBB1_6-.Ltmp1, $4  }
0x31: {  	s19 =	smov.u32 s15;
	p0 =	por !p0, !p0;
	[sflag:s25] =	ssyncset.done @!p1 $0x0  }
0x32: {  	s12 =	smov.u32 s21;
	s22 =	smov.u32 @p3 s4;
	[sflag:s25] =	ssyncadd.s32 @!p1 $0xFFFFC000  }
0x33: {  	s13 =	smov.u32 s22;
	s23 =	smov.u32 @p4 s3;
	s17 =	smov.u32 s14  }
0x34: {  	s14 =	smov.u32 s23;
	s16 =	sadd.s32 $0x1, s16;
	s15 =	smov.u32 s24  }
.LBB1_1:
0x35: {  	p1 =	sge.u32 s16, s8  }
0x36: {  	s31 =	sadd.s32 $0xFFFFFFFF, s16;
	s21 =	sshll.u32 @!p1 s13, $0xA  }
0x37: {  	s22 =	sxor.u32 @!p1 $0xFFFFFFFF, s16;
	s23 =	sshll.u32 @!p1 s12, $0x3;
	s21 =	sand.u32 @!p1 $0x6000, s21  }
0x38: {  	s24 =	sshll.u32 @!p1 s12, $0x1;
	s21 =	sadd.s32 @!p1 s21, s23;
	s23 =	sshll.u32 @!p1 s13, $0x7  }
0x39: {  	s25 =	sshll.u32 @!p1 s15, $0x13;
	s24 =	sand.u32 @!p1 $0xF0, s24;
	s23 =	sand.u32 @!p1 $0x300, s23  }
0x3a: {  	s25 =	sadd.s32 @!p1 s5, s25;
	s23 =	sor.u32 @!p1 s23, s24;
	s24 =	sshll.u32 @!p1 s14, $0xB  }
0x3b: {  	s21 =	sshrl.u32 @!p1 s21, $0x4;
	s23 =	sshrl.u32 @!p1 s23, $0x4;
	s24 =	sadd.s32 @!p1 s24, s25  }
0x3c: {  	s21 =	sand.u32 @!p1 $0x7C0, s21;
	s23 =	sadd.s32 @!p1 s23, s24;
	s24 =	sand.u32 @!p1 $0x7, s12  }
0x3d: {  	s22 =	sshll.u32 @!p1 s22, $0xE;
	s21 =	sadd.s32 @!p1 s21, s23;
	s23 =	sshll.u32 @!p1 s24, $0x12  }
0x3e: {  	s22 =	sand.u32 @!p1 $0x4000, s22;
	s24 =	simm.s32 @!p1 $0x4000;
	s23 =	sor.u32 @!p1 $0x80, s23  }
0x3f: {  	[tilespmem:s22], [sflag:$0x1] =	stream.strided.gather @!p1 [hbm4b:s21+s23], $0x4000, s24, s23, $0x38;
	[tilespmem:$0x10100] =	vst v63  }
0x40: {  	p1 =	sge.u32 s31, s8  }
.Ltmp2:
0x41: {  	_ = 	snop;
	(pc) =	sbr.rel @p1 .LBB1_5-.Ltmp2, $1  }
0x42: {  	_ =	sdelay $0x3  }
0x43: {  	s21 =	simm.s32 $0x1  }
0x44: {  	_ =	swait.ge [sflag:s6], $0x4000;
	s21 =	simm.s32 @!p0 $0x0  }
0x45: {  	[sflag:s6] =	ssyncset.done $0x0;
	s22 =	sshll.u32 s21, $0xE  }
0x46: {  	[sflag:s6] =	ssyncadd.s32 $0xFFFFC000;
	s22 =	sor.u32 $0x40, s22  }
0x47: {  	v0 =	vld [tilespmem:s22+$0x20]  }
0x48: {  	v1 =	vld [tilespmem:s22+$0x30]  }
0x49: {  	v2 =	vld [tilespmem:s22+$0xFFFFFFD0]  }
0x4a: {  	v3 =	vld [tilespmem:s22+$0xFFFFFFE0]  }
0x4b: {  	v4 =	vld [tilespmem:s22+$0xFFFFFFF0]  }
0x4c: {  	v5 =	vld [tilespmem:s22+$0x0]  }
0x4d: {  	v6 =	vld [tilespmem:s22+$0x10]  }
0x4e: {  	v7 =	vld [tilespmem:s22+$0xFFFFFFC0]  }
0x4f: {  	s21 =	smul.u32 $0x10200, s21;
	v1 =	vperm.xlane.i2c.b16 v1;
	v0 =	vperm.xlane.i2c.b16 v0  }
0x50: {  	s22 =	sadd.s32 $0x80, s22;
	v10 =	vperm.xlane.i2c.b16 v2;
	v3 =	vperm.xlane.i2c.b16 v3  }
0x51: {  	s21 =	sshrl.u32 s21, $0x2;
	v9 =	vld [tilespmem:s22+$0x30];
	v4 =	vperm.xlane.i2c.b16 v4;
	v5 =	vperm.xlane.i2c.b16 v5  }
0x52: {  	s23 =	sor.u32 $0x8000, s21;
	v2 =	vld [tilespmem:s22+$0x20];
	v6 =	vperm.xlane.i2c.b16 v6;
	v8 =	vcombine.low v0, v1  }
0x53: {  	v12 =	vld [tilespmem:s22+$0xFFFFFFF0];
	s24 =	sadd.s32 $0x0, s23;
	v13 =	vperm.xlane.i2c.b16 v7;
	v11 =	vcombine.low v3, v4  }
0x54: {  	v0 =	vcombine.high v0, v1;
	v1 =	vld [tilespmem:s22+$0xFFFFFFD0];
	v7 =	vcombine.low v5, v6;
	[tilespmem:s24+$0x1830 ss:$0x81] =	vst.msk $0xffff, v8  }
0x55: {  	v8 =	vld [tilespmem:s22+$0xFFFFFFE0];
	[tilespmem:s24+$0x810 ss:$0x81] =	vst.msk $0xffff, v11  }
0x56: {  	v14 =	vld [tilespmem:s22+$0x0];
	v9 =	vperm.xlane.i2c.b16 v9;
	v5 =	vcombine.high v5, v6;
	[tilespmem:s24+$0x1020 ss:$0x81] =	vst.msk $0xffff, v7  }
0x57: {  	s31 =	sand.u32 $0x1, s16;
	[tilespmem:s24+$0x3870 ss:$0x81] =	vst.msk $0xffff, v0;
	v0 =	vcombine.high v3, v4;
	v3 =	vld [tilespmem:s22+$0x10];
	v2 =	vperm.xlane.i2c.b16 v2  }
0x58: {  	s21 =	smul.u32 $0x10200, s31;
	s25 =	sadd.s32 $0x80, s22;
	v11 =	vcombine.low v13, v10;
	v7 =	vperm.xlane.i2c.b16 v12;
	v4 =	vld [tilespmem:s22+$0xFFFFFFC0];
	[tilespmem:s24+$0x3060 ss:$0x81] =	vst.msk $0xffff, v5  }
0x59: {  	v5 =	vld [tilespmem:s25+$0x30];
	[tilespmem:s24+$0x2850 ss:$0x81] =	vst.msk $0xffff, v0;
	v0 =	vperm.xlane.i2c.b16 v1;
	v15 =	vcombine.low v2, v9  }
0x5a: {  	s26 =	sadd.s32 $0x1, s23;
	s21 =	sshrl.u32 s21, $0x2;
	[tilespmem:s24+$0x0 ss:$0x81] =	vst.msk $0xffff, v11;
	v1 =	vld [tilespmem:s25+$0x20];
	v9 =	vcombine.high v2, v9;
	v6 =	vperm.xlane.i2c.b16 v8  }
0x5b: {  	s27 =	simm.s32 $0x8;
	s28 =	simm.s32 $0xC;
	v10 =	vcombine.high v13, v10;
	s22 =	sor.u32 $0x8000, s21;
	v2 =	vld [tilespmem:s25+$0xFFFFFFD0];
	v8 =	vperm.xlane.i2c.b16 v14;
	[tilespmem:s26+$0x1830 ss:$0x81] =	vst.msk $0xffff, v15  }
.LBB1_3:
0x5c: {  	p1 =	sne.s32 s28, $0x1FC;
	v11 =	vld [tilespmem:s25+$0xFFFFFFE0];
	v12 =	vcombine.low v6, v7;
	v3 =	vperm.xlane.i2c.b16 v3;
	[tilespmem:s26+$0x3870 ss:$0x81] =	vst.msk $0xffff, v9  }
0x5d: {  	v13 =	vperm.xlane.i2c.b16 v4;
	v4 =	vcombine.high v6, v7;
	v9 =	vld [tilespmem:s25+$0xFFFFFFF0];
	[tilespmem:s24+$0x2040 ss:$0x81] =	vst.msk $0xffff, v10;
	s24 =	smov.u32 s26  }
0x5e: {  	v10 =	vld [tilespmem:s25+$0x0];
	[tilespmem:s24+$0x810 ss:$0x81] =	vst.msk $0xffff, v12;
	v6 =	vcombine.low v8, v3;
	v7 =	vcombine.high v8, v3  }
.Ltmp3:
0x5f: {  	v8 =	vperm.xlane.i2c.b16 v5;
	v12 =	vperm.xlane.i2c.b16 v1;
	v3 =	vld [tilespmem:s25+$0x10];
	[tilespmem:s24+$0x2850 ss:$0x81] =	vst.msk $0xffff, v4;
	(pc) =	sbr.rel @p1 .LBB1_3-.Ltmp3, $4  }
0x60: {  	v14 =	vperm.xlane.i2c.b16 v2;
	v2 =	vcombine.low v13, v0;
	v4 =	vld [tilespmem:s25+$0xFFFFFFC0];
	s25 =	sadd.s32 $0x80, s25;
	[tilespmem:s24+$0x1020 ss:$0x81] =	vst.msk $0xffff, v6  }
0x61: {  	s26 =	sshra.s32 s27, $0x2;
	s27 =	smov.u32 s28;
	v1 =	vld [tilespmem:s25+$0x20];
	v6 =	vperm.xlane.i2c.b16 v11;
	v11 =	vcombine.low v12, v8;
	[tilespmem:s24+$0x3060 ss:$0x81] =	vst.msk $0xffff, v7  }
0x62: {  	s26 =	sadd.s32 s26, s23;
	v5 =	vld [tilespmem:s25+$0x30];
	v7 =	vperm.xlane.i2c.b16 v9;
	v9 =	vcombine.high v12, v8;
	[tilespmem:s24+$0x0 ss:$0x81] =	vst.msk $0xffff, v2  }
0x63: {  	s28 =	sadd.s32 $0x4, s28;
	v2 =	vld [tilespmem:s25+$0xFFFFFFD0];
	v8 =	vperm.xlane.i2c.b16 v10;
	[tilespmem:s26+$0x1830 ss:$0x81] =	vst.msk $0xffff, v11;
	v10 =	vcombine.high v13, v0;
	v0 =	vmov v14  }
.Ltmp4:
0x64: {  	_ = 	snop;
	(pc) =	sbr.rel .LBB1_4-.Ltmp4, $1  }
0x65: {  	_ =	sdelay $0x3  }
.LBB1_6:
0x66: {  	_ =	sfence.sel $0x180000  }
0x67: {  	s2 =	simm.s32 $0x1;
	[bflag:$0x0] =	sbarrier.arrive $0xFFFF  }
0x68: {  	s31 =	simm.s32 $0x2;
	[sflag:s2] =	ssyncpa.u1 $0x1  }
0x69: {  	[sflag:s31] =	ssyncpa.u1 $0x1  }
0x6a: {  	p0 =	sne.s32 s1, $0x0;
	_ =	strace $0x9000004A  }
0x6b: {  	s0 =	sadd.s32 @!p0 $0x100000, s0;
	[bflag:$0x2] =	sbarrier.arrive $0xFFFF  }
0x6c: {  	[sflag:s0] =	ssyncadd.tile.s32 @!p0 $0x1;
	_ =	shalt  }
.Lfunc_end1:
_tile_overlayer_lowered:
.L_overlay_start_2:
0x6d: {  	(tag) =	ssettag $0x2  }
0x6e: {  	s0 =	rddreg [dreg:$0x0];
	s2 =	stileid.u32  }
0x6f: {  	s1 =	rddreg [dreg:$0x1];
	p0 =	sne.s32 s2, $0x0  }
0x70: {  	s3 =	rddreg [dreg:$0x2];
	[bflag:$0x3] =	sbarrier.arrive $0xFFFF;
	s2 =	simm.s32 @!p0 $0x1C01  }
0x71: {  	[timem:s3], [sflag:s2] =	dma.local @!p0 [hbm:s0], s1  }
0x72: {  	s0 =	simm.s32 @!p0 $0x1  }
0x73: {  	_ =	swait.ge @!p0 [sflag:s0], s1  }
0x74: {  	s1 =	ssub.s32 @!p0 $0x0, s1;
	[sflag:s0] =	ssyncset.done @!p0 $0x0  }
0x75: {  	[sflag:s0] =	ssyncadd.s32 @!p0 s1  }
0x76: {  	[bflag:$0x3] =	sbarrier.arrive $0xFFFF  }
0x77: {  	_ =	shalt  }

// kernel: sparse-core-data-format-call.3.cloned.1.call-start
scs
called_computation.3_lowered:
.L_overlay_start_0:
0x0: {  	s2 =	sld [smem:$0x3FD9]  }
0x1: {  	s3 =	sld [smem:$0x3FFE];
	_ =	sdelay $0x1  }
0x2: {  	s1 =	srdreg.scid  }
0x3: {  	s0 =	sand.u32 $0x1, s1  }
0x4: {  	s18 =	sshll.u32 s0, $0xA;
	s2 =	sadd.s32 s3, s2  }
0x5: {  	s2 =	sadd.s32 s2, s18  }
0x6: {  	[smem:$0x3F6D] =	sst s2  }
0x7: {  	_ = 	snop  }
0x8: {  	(tm) =	ssettm $0x1  }
0x9: {  	s19 =	sld [smem:$0x3FFB];
	_ =	sdelay $0x3  }
0xa: {  	_ =	strace s19  }
0xb: {  	s2 =	sld [smem:$0x3FFC];
	_ =	sdelay $0x3  }
0xc: {  	_ =	strace s2  }
0xd: {  	s2 =	sld [smem:$0x3FFD];
	_ =	sdelay $0x3  }
0xe: {  	_ =	strace s2  }
0xf: {  	_ =	strace $0x8FFFFFFF  }
0x10: {  	s20 =	sld [smem:$0x3FDB];
	_ =	sdelay $0x1  }
0x11: {  	s21 =	simm.s32 $_scs_section_size  }
0x12: {  	s4 =	simm.s32 $_size__tile_overlayer_lowered;
	s5 =	simm.s32 $_tile_overlayer_lowered  }
0x13: {  	s6 =	simm.s32 $0x1BFF;
	s22 =	sshll.u32 s5, $0x1;
	s3 =	sadd.s32 s21, s20  }
0x14: {  	s23 =	simm.s32 $0x0;
	s4 =	sshll.u32 s4, $0x1;
	s5 =	sadd.s32 s22, s3  }
0x15: {  	[timem:s23], [sflag:s6] =	dma.local [hbm:s5], s4  }
0x16: {  	_ =	swait.ge [sflag:s6], s4  }
0x17: {  	s4 =	ssub.s32 $0x0, s4;
	[sflag:s6] =	ssyncset.done $0x0  }
0x18: {  	[sflag:s6] =	ssyncadd.s32 s4;
	_ =	sdelay $0x1  }
0x19: {  	s24 =	simm.s32 $0x1B8B  }
0x1a: {  	_ =	swait.ge [sflag:s24], $0x1  }
0x1b: {  	[sflag:s24] =	ssyncset.done $0x0  }
0x1c: {  	[sflag:s24] =	ssyncadd.s32 $0xFFFFFFFF  }
0x1d: {  	s4 =	sld [smem:$0x0]  }
0x1e: {  	s5 =	sand.u32 $0xFFFFFFFE, s1  }
0x1f: {  	p0 =	sne.s32 s1, s5  }
0x20: {  	s5 =	sshll.u32 @p0 s5, $0xE  }
0x21: {  	s5 =	sadd.s32 @p0 $0x11B8D, s5;
	s6 =	sshll.u32 @p0 s4, $0x11  }
0x22: {  	s5 =	sor.u32 @p0 s6, s5  }
0x23: {  	[sflag:s5] =	ssyncadd.remote.s32 @p0 $0x1;
	_ =	sdelay $0x1  }
0x24: {  	s5 =	simm.s32 @p0 $0x1B8D  }
0x25: {  	_ =	swait.eq @p0 [sflag:s5], $0x1  }
0x26: {  	[sflag:s5] =	ssyncadd.s32 @p0 $0xFFFFFFFF  }
0x27: {  	s6 =	sshll.u32 @!p0 s1, $0xE  }
0x28: {  	s6 =	sor.u32 @!p0 $0x4000, s6;
	s5 =	simm.s32 @!p0 $0x1B8D  }
0x29: {  	s4 =	sshll.u32 @!p0 s4, $0x11;
	s6 =	sadd.s32 @!p0 $0x11B8D, s6;
	_ =	swait.eq @!p0 [sflag:s5], $0x1  }
0x2a: {  	s4 =	sor.u32 @!p0 s4, s6;
	[sflag:s5] =	ssyncadd.s32 @!p0 $0xFFFFFFFF  }
0x2b: {  	s26 =	simm.s32 $0x1B8E;
	s25 =	sld [smem:$0x3FFE];
	[sflag:s4] =	ssyncadd.remote.s32 @!p0 $0x1  }
0x2c: {  	s27 =	simm.s32 $execute0_lowered;
	[smem:$0x3FD2] =	sst s26  }
0x2d: {  	s5 =	sshll.u32 s27, $0x1;
	_ =	strace $0x8000004C;
	[dreg:$0x1] =	wrdreg $0xFFFFFFFF  }
0x2e: {  	s28 =	simm.s32 $_size_execute0_lowered;
	s3 =	sadd.s32 s3, s5;
	[dreg:$0x0] =	wrdreg $0x0  }
0x2f: {  	s5 =	sshll.u32 s28, $0x1;
	[dreg:$0x2] =	wrdreg s3  }
0x30: {  	[dreg:$0x3] =	wrdreg s5  }
0x31: {  	[dreg:$0x4] =	wrdreg $0xC0  }
0x32: {  	_ =	task [dreg:s23], $0x5FFFF  }
0x33: {  	[dreg:$0x1] =	wrdreg $0xFFFFFFFF  }
0x34: {  	[dreg:$0x0] =	wrdreg $0x60  }
0x35: {  	[dreg:$0x2] =	wrdreg s25  }
0x36: {  	[dreg:$0x3] =	wrdreg $0xB  }
0x37: {  	_ =	task.clear_ibuf [dreg:s23], $0x4FFFF;
	_ =	strace $0x9000004C  }
0x38: {  	s29 =	simm.s32 $0xB;
	_ =	strace $0x8000004E  }
0x39: {  	_ =	swait.ge [sflag:s29], $0x1  }
0x3a: {  	[sflag:s29] =	ssyncadd.s32 $0xFFFFFFFF  }
0x3b: {  	_ =	strace $0x9000004E  }
0x3c: {  	_ =	sfence  }
0x3d: {  	s30 =	sld [smem:$0x0];
	_ =	sdelay $0x2  }
0x3e: {  	s31 =	sshll.u32 s1, $0xD;
	s1 =	sshrl.u32 s1, $0x2  }
0x3f: {  	s4 =	sand.u32 $0x4000, s31;
	s1 =	sadd.s32 s1, s30  }
0x40: {  	s0 =	sor.u32 s4, s0;
	s1 =	sshll.u32 s1, $0x11  }
0x41: {  	s0 =	sor.u32 s1, s0  }
0x42: {  	s0 =	sadd.s32 $0x8F2B, s0  }
0x43: {  	[sflag:s0] =	ssyncadd.remote.s32 $0x1  }
0x44: {  	_ =	sfence.sel $0xFFFF  }
0x45: {  	[dreg:$0x0] =	wrdreg $0xFFFFFFFF;
	(pc) =	sbr.abs _section_cstart, $3  }
0x46: {  	[dreg:$0x1] =	wrdreg $0xFFFFFFFF  }
0x47: {  	_ =	task.clear_ibuf [dreg:s23], $0x2FFFF;
	_ =	strace $0x9FFFFFFF  }
0x48: {  	(tm) =	ssettm $0x7FFFFFFF  }
0x49: {  	_ =	shalt  }
tec
execute0_lowered:
.L_overlay_start_1:
0x0: {  	(tag) =	ssettag $0x1  }
0x1: {  	s0 =	srdreg.scid  }
0x2: {  	s9 =	rddreg [dreg:$0x0];
	s1 =	stileid.u32  }
0x3: {  	s31 =	simm.s32 $0x2;
	s20 =	simm.s32 $0x0;
	s11 =	simm.s32 $0x400  }
0x4: {  	s18 =	simm.s32 $0x0;
	s17 =	simm.s32 $0x0;
	s19 =	simm.s32 $0x0  }
0x5: {  	s12 =	simm.s32 $0x0;
	s16 =	simm.s32 $0x0;
	s2 =	sshll.u32 s0, $0x4  }
0x6: {  	s0 =	rddreg [dreg:$0x1];
	s4 =	sshll.u32 s1, $0x6;
	s3 =	sor.u32 s1, s2  }
0x7: {  	_ =	strace $0x8000004D;
	s2 =	sand.u32 $0x1, s1;
	s5 =	sshrl.u32 s3, $0x1  }
0x8: {  	s3 =	sand.u32 $0x80, s4;
	s28 =	ssub.s32 $0x2, s2;
	s4 =	sand.u32 $0xE, s5  }
0x9: {  	s6 =	sshrl.u32 s28, $0x1;
	s5 =	sand.u32 $0x1, s28;
	s7 =	ssub.s32 $0x100, s3  }
0xa: {  	s5 =	sadd.s32 s5, s6;
	s29 =	sshrl.u32 s7, $0x7;
	s8 =	ssub.s32 $0x40, s4  }
0xb: {  	s7 =	sshrl.u32 s7, $0x8;
	s6 =	sand.u32 $0x1, s29;
	s10 =	sand.u32 $0xE, s8  }
0xc: {  	s6 =	sadd.s32 s7, s6;
	p0 =	sne.s32 s10, $0x0;
	s7 =	simm.s32 $0x1  }
0xd: {  	s8 =	sshrl.u32 s8, $0x4;
	s7 =	simm.s32 @!p0 $0x0;
	s30 =	smul.u32 s6, s5  }
.Ltmp0:
0xe: {  	s15 =	smov.u32 s2;
	s7 =	sadd.s32 s7, s8;
	(pc) =	sbr.rel .LBB1_1-.Ltmp0, $4  }
0xf: {  	s14 =	smov.u32 s3;
	s13 =	smov.u32 s4;
	s8 =	smul.u32 s7, s30  }
0x10: {  	s5 =	sadd.s32 $0x240400, s9;
	s6 =	simm.s32 $0x1;
	p0 =	por $0x0, $0x0  }
0x11: {  	[sflag:s6] =	ssyncpa.u1 $0x0;
	s7 =	sadd.s32 $0x440400, s9;
	s8 =	sshll.u32 s8, $0x3  }
0x12: {  	[sflag:s31] =	ssyncpa.u1 $0x0;
	s9 =	sadd.s32 $0x444400, s9;
	s10 =	sor.u32 $0x1, s8  }
.LBB1_4:
0x13: {  	v11 =	vld [tilespmem:s25+$0xFFFFFFE0];
	v12 =	vcombine.low v6, v7  }
0x14: {  	v3 =	vperm.xlane.i2c.b16 v3;
	[tilespmem:s26+$0x3870 ss:$0x81] =	vst.msk $0xffff, v9;
	v45 =	vld [tilespmem:s25+$0xFFFFFFF0];
	v4 =	vperm.xlane.i2c.b16 v4  }
0x15: {  	v46 =	vcombine.high v6, v7;
	[tilespmem:s24+$0x2040 ss:$0x81] =	vst.msk $0xffff, v10;
	v47 =	vld [tilespmem:s25+$0x0];
	v5 =	vperm.xlane.i2c.b16 v5  }
0x16: {  	v49 =	vld [tilespmem:s25+$0x10];
	v1 =	vperm.xlane.i2c.b16 v1;
	[tilespmem:s26+$0x810 ss:$0x81] =	vst.msk $0xffff, v12;
	v48 =	vcombine.low v8, v3  }
0x17: {  	v51 =	vld [tilespmem:s25+$0xFFFFFFC0];
	v58 =	vperm.xlane.i2c.b16 v2;
	v50 =	vcombine.low v4, v0;
	[tilespmem:s26+$0x2850 ss:$0x81] =	vst.msk $0xffff, v46  }
0x18: {  	s29 =	sshra.s32 s27, $0x2;
	v3 =	vcombine.high v8, v3;
	v52 =	vcombine.low v1, v5;
	[tilespmem:s26+$0x1020 ss:$0x81] =	vst.msk $0xffff, v48  }
0x19: {  	s23 =	sadd.s32 s29, s23;
	v1 =	vcombine.high v1, v5;
	v55 =	vcombine.high v4, v0;
	[tilespmem:s26+$0x0 ss:$0x81] =	vst.msk $0xffff, v50  }
0x1a: {  	[tilespmem:s23+$0x1830 ss:$0x81] =	vst.msk $0xffff, v52;
	v11 =	vperm.xlane.i2c.b16 v11;
	v53 =	vperm.xlane.i2c.b16 v45  }
0x1b: {  	[tilespmem:s26+$0x3060 ss:$0x81] =	vst.msk $0xffff, v3;
	v54 =	vperm.xlane.i2c.b16 v47;
	v57 =	vperm.xlane.i2c.b16 v49  }
0x1c: {  	s30 =	sshll.u32 s20, $0x8;
	s31 =	sshll.u32 s17, $0x3;
	s19 =	sshll.u32 s19, $0x14;
	[tilespmem:s23+$0x3870 ss:$0x81] =	vst.msk $0xffff, v1;
	v60 =	vperm.xlane.i2c.b16 v51;
	v56 =	vcombine.low v11, v53  }
0x1d: {  	s18 =	sshll.u32 s18, $0xE;
	s27 =	sshrl.u32 s17, $0x3;
	s24 =	sand.u32 $0x3F800, s30;
	[tilespmem:s26+$0x2040 ss:$0x81] =	vst.msk $0xffff, v55;
	v61 =	vcombine.low v54, v57  }
0x1e: {  	s25 =	sand.u32 $0x3FC00, s31;
	s28 =	sadd.s32 s19, s18;
	s26 =	sshll.u32 s20, $0x7;
	v63 =	vcombine.low v60, v58;
	[tilespmem:s23+$0x810 ss:$0x81] =	vst.msk $0xffff, v56  }
0x1f: {  	s29 =	sand.u32 $0x7, s17;
	s24 =	sadd.s32 s25, s24;
	s20 =	sand.u32 $0x300, s26;
	v59 =	vcombine.high v11, v53;
	[tilespmem:s23+$0x1020 ss:$0x81] =	vst.msk $0xffff, v61  }
0x20: {  	s19 =	sadd.s32 s19, s9;
	s25 =	sadd.s32 s7, s28;
	v62 =	vcombine.high v54, v57;
	s20 =	sor.u32 s20, s24;
	[tilespmem:s23+$0x0 ss:$0x81] =	vst.msk $0xffff, v63  }
0x21: {  	s17 =	sshll.u32 s29, $0x12;
	v0 =	vcombine.high v60, v58;
	s24 =	sand.u32 $0xF, s27;
	s20 =	sshrl.u32 s20, $0x4;
	[tilespmem:s23+$0x2850 ss:$0x81] =	vst.msk $0xffff, v59  }
0x22: {  	s18 =	sadd.s32 s18, s19;
	s25 =	sadd.s32 s24, s25;
	s20 =	sand.u32 $0x3FF0, s20;
	[tilespmem:s23+$0x3060 ss:$0x81] =	vst.msk $0xffff, v62  }
0x23: {  	s17 =	sor.u32 $0x200, s17;
	s18 =	sadd.s32 s24, s18;
	[tilespmem:s23+$0x2040 ss:$0x81] =	vst.msk $0xffff, v0;
	s30 =	sadd.s32 s20, s25  }
0x24: {  	[hbm4b:s30+s17] =	stream.strided.scatter [tilespmem:s22], [sflag:$0x2], $0x2000, s11, s17, $0x20;
	[tilespmem:$0x10100] =	vst v63  }
0x25: {  	s31 =	sadd.s32 $0xA040, s21;
	s18 =	sadd.s32 s20, s18  }
0x26: {  	[hbm4b:s18+s17] =	stream.strided.scatter [tilespmem:s31], [sflag:$0x2], $0x2000, s11, s17, $0x20;
	[tilespmem:$0x10100] =	vst v63  }
.LBB1_5:
0x27: {  	s21 =	sadd.s32 $0x80, s12  }
0x28: {  	s17 =	sadd.s32 $0x10, s13;
	s22 =	smov.u32 s13;
	p2 =	sgt.s32 s21, $0x3FF  }
0x29: {  	s22 =	smov.u32 @p2 s17  }
0x2a: {  	s23 =	smov.u32 s14;
	s17 =	sadd.s32 $0x100, s14;
	p3 =	sgt.s32 s22, $0x3F  }
0x2b: {  	s23 =	smov.u32 @p3 s17  }
0x2c: {  	s24 =	smov.u32 s15;
	s17 =	sadd.s32 $0x2, s15;
	p4 =	sgt.s32 s23, $0xFF  }
0x2d: {  	p1 =	slt.u32 s16, $0x2;
	s24 =	smov.u32 @p4 s17  }
0x2e: {  	s20 =	smov.u32 s12;
	s21 =	simm.s32 @p2 $0x0;
	p2 =	sgt.s32 s24, $0x1  }
0x2f: {  	s25 =	simm.s32 @!p1 $0x2;
	s24 =	smov.u32 @p2 s2;
	p2 =	sne.s32 s16, s10  }
.Ltmp1:
0x30: {  	s18 =	smov.u32 s13;
	_ =	swait.ge @!p1 [sflag:s25], $0x4000;
	(pc) =	sbr.rel @!p2 .LBB1_6-.Ltmp1, $4  }
0x31: {  	s19 =	smov.u32 s15;
	p0 =	por !p0, !p0;
	[sflag:s25] =	ssyncset.done @!p1 $0x0  }
0x32: {  	s12 =	smov.u32 s21;
	s22 =	smov.u32 @p3 s4;
	[sflag:s25] =	ssyncadd.s32 @!p1 $0xFFFFC000  }
0x33: {  	s13 =	smov.u32 s22;
	s23 =	smov.u32 @p4 s3;
	s17 =	smov.u32 s14  }
0x34: {  	s14 =	smov.u32 s23;
	s16 =	sadd.s32 $0x1, s16;
	s15 =	smov.u32 s24  }
.LBB1_1:
0x35: {  	p1 =	sge.u32 s16, s8  }
0x36: {  	s31 =	sadd.s32 $0xFFFFFFFF, s16;
	s21 =	sshll.u32 @!p1 s13, $0xA  }
0x37: {  	s22 =	sxor.u32 @!p1 $0xFFFFFFFF, s16;
	s23 =	sshll.u32 @!p1 s12, $0x3;
	s21 =	sand.u32 @!p1 $0xE000, s21  }
0x38: {  	s24 =	sshll.u32 @!p1 s12, $0x1;
	s21 =	sadd.s32 @!p1 s21, s23;
	s23 =	sshll.u32 @!p1 s13, $0x7  }
0x39: {  	s25 =	sshll.u32 @!p1 s15, $0x14;
	s24 =	sand.u32 @!p1 $0xF0, s24;
	s23 =	sand.u32 @!p1 $0x300, s23  }
0x3a: {  	s25 =	sadd.s32 @!p1 s5, s25;
	s23 =	sor.u32 @!p1 s23, s24;
	s24 =	sshll.u32 @!p1 s14, $0xC  }
0x3b: {  	s21 =	sshrl.u32 @!p1 s21, $0x4;
	s23 =	sshrl.u32 @!p1 s23, $0x4;
	s24 =	sadd.s32 @!p1 s24, s25  }
0x3c: {  	s21 =	sand.u32 @!p1 $0xFC0, s21;
	s23 =	sadd.s32 @!p1 s23, s24;
	s24 =	sand.u32 @!p1 $0x7, s12  }
0x3d: {  	s22 =	sshll.u32 @!p1 s22, $0xE;
	s21 =	sadd.s32 @!p1 s21, s23;
	s23 =	sshll.u32 @!p1 s24, $0x12  }
0x3e: {  	s22 =	sand.u32 @!p1 $0x4000, s22;
	s24 =	simm.s32 @!p1 $0x8000;
	s23 =	sor.u32 @!p1 $0x80, s23  }
0x3f: {  	[tilespmem:s22], [sflag:$0x1] =	stream.strided.gather @!p1 [hbm4b:s21+s23], $0x4000, s24, s23, $0x38;
	[tilespmem:$0x10100] =	vst v63  }
0x40: {  	p1 =	sge.u32 s31, s8  }
.Ltmp2:
0x41: {  	_ = 	snop;
	(pc) =	sbr.rel @p1 .LBB1_5-.Ltmp2, $1  }
0x42: {  	_ =	sdelay $0x3  }
0x43: {  	s21 =	simm.s32 $0x1  }
0x44: {  	_ =	swait.ge [sflag:s6], $0x4000;
	s21 =	simm.s32 @!p0 $0x0  }
0x45: {  	[sflag:s6] =	ssyncset.done $0x0;
	s22 =	sshll.u32 s21, $0xE  }
0x46: {  	[sflag:s6] =	ssyncadd.s32 $0xFFFFC000;
	s22 =	sor.u32 $0x40, s22  }
0x47: {  	v0 =	vld [tilespmem:s22+$0x20]  }
0x48: {  	v1 =	vld [tilespmem:s22+$0x30]  }
0x49: {  	v2 =	vld [tilespmem:s22+$0xFFFFFFD0]  }
0x4a: {  	v3 =	vld [tilespmem:s22+$0xFFFFFFE0]  }
0x4b: {  	v4 =	vld [tilespmem:s22+$0xFFFFFFF0]  }
0x4c: {  	v5 =	vld [tilespmem:s22+$0x0]  }
0x4d: {  	v6 =	vld [tilespmem:s22+$0x10]  }
0x4e: {  	v7 =	vld [tilespmem:s22+$0xFFFFFFC0]  }
0x4f: {  	s21 =	smul.u32 $0x10200, s21;
	v1 =	vperm.xlane.i2c.b16 v1;
	v0 =	vperm.xlane.i2c.b16 v0  }
0x50: {  	s22 =	sadd.s32 $0x80, s22;
	v10 =	vperm.xlane.i2c.b16 v2;
	v3 =	vperm.xlane.i2c.b16 v3  }
0x51: {  	s21 =	sshrl.u32 s21, $0x2;
	v9 =	vld [tilespmem:s22+$0x30];
	v4 =	vperm.xlane.i2c.b16 v4;
	v5 =	vperm.xlane.i2c.b16 v5  }
0x52: {  	s23 =	sor.u32 $0x8000, s21;
	v2 =	vld [tilespmem:s22+$0x20];
	v6 =	vperm.xlane.i2c.b16 v6;
	v8 =	vcombine.low v0, v1  }
0x53: {  	v12 =	vld [tilespmem:s22+$0xFFFFFFF0];
	s24 =	sadd.s32 $0x0, s23;
	v13 =	vperm.xlane.i2c.b16 v7;
	v11 =	vcombine.low v3, v4  }
0x54: {  	v0 =	vcombine.high v0, v1;
	v1 =	vld [tilespmem:s22+$0xFFFFFFD0];
	v7 =	vcombine.low v5, v6;
	[tilespmem:s24+$0x1830 ss:$0x81] =	vst.msk $0xffff, v8  }
0x55: {  	v8 =	vld [tilespmem:s22+$0xFFFFFFE0];
	[tilespmem:s24+$0x810 ss:$0x81] =	vst.msk $0xffff, v11  }
0x56: {  	v14 =	vld [tilespmem:s22+$0x0];
	v9 =	vperm.xlane.i2c.b16 v9;
	v5 =	vcombine.high v5, v6;
	[tilespmem:s24+$0x1020 ss:$0x81] =	vst.msk $0xffff, v7  }
0x57: {  	s31 =	sand.u32 $0x1, s16;
	[tilespmem:s24+$0x3870 ss:$0x81] =	vst.msk $0xffff, v0;
	v0 =	vcombine.high v3, v4;
	v3 =	vld [tilespmem:s22+$0x10];
	v2 =	vperm.xlane.i2c.b16 v2  }
0x58: {  	s21 =	smul.u32 $0x10200, s31;
	s25 =	sadd.s32 $0x80, s22;
	v11 =	vcombine.low v13, v10;
	v7 =	vperm.xlane.i2c.b16 v12;
	v4 =	vld [tilespmem:s22+$0xFFFFFFC0];
	[tilespmem:s24+$0x3060 ss:$0x81] =	vst.msk $0xffff, v5  }
0x59: {  	v5 =	vld [tilespmem:s25+$0x30];
	[tilespmem:s24+$0x2850 ss:$0x81] =	vst.msk $0xffff, v0;
	v0 =	vperm.xlane.i2c.b16 v1;
	v15 =	vcombine.low v2, v9  }
0x5a: {  	s26 =	sadd.s32 $0x1, s23;
	s21 =	sshrl.u32 s21, $0x2;
	[tilespmem:s24+$0x0 ss:$0x81] =	vst.msk $0xffff, v11;
	v1 =	vld [tilespmem:s25+$0x20];
	v9 =	vcombine.high v2, v9;
	v6 =	vperm.xlane.i2c.b16 v8  }
0x5b: {  	s27 =	simm.s32 $0x8;
	s28 =	simm.s32 $0xC;
	v10 =	vcombine.high v13, v10;
	s22 =	sor.u32 $0x8000, s21;
	v2 =	vld [tilespmem:s25+$0xFFFFFFD0];
	v8 =	vperm.xlane.i2c.b16 v14;
	[tilespmem:s26+$0x1830 ss:$0x81] =	vst.msk $0xffff, v15  }
.LBB1_3:
0x5c: {  	p1 =	sne.s32 s28, $0x1FC;
	v11 =	vld [tilespmem:s25+$0xFFFFFFE0];
	v12 =	vcombine.low v6, v7;
	v3 =	vperm.xlane.i2c.b16 v3;
	[tilespmem:s26+$0x3870 ss:$0x81] =	vst.msk $0xffff, v9  }
0x5d: {  	v13 =	vperm.xlane.i2c.b16 v4;
	v4 =	vcombine.high v6, v7;
	v9 =	vld [tilespmem:s25+$0xFFFFFFF0];
	[tilespmem:s24+$0x2040 ss:$0x81] =	vst.msk $0xffff, v10;
	s24 =	smov.u32 s26  }
0x5e: {  	v10 =	vld [tilespmem:s25+$0x0];
	[tilespmem:s24+$0x810 ss:$0x81] =	vst.msk $0xffff, v12;
	v6 =	vcombine.low v8, v3;
	v7 =	vcombine.high v8, v3  }
.Ltmp3:
0x5f: {  	v8 =	vperm.xlane.i2c.b16 v5;
	v12 =	vperm.xlane.i2c.b16 v1;
	v3 =	vld [tilespmem:s25+$0x10];
	[tilespmem:s24+$0x2850 ss:$0x81] =	vst.msk $0xffff, v4;
	(pc) =	sbr.rel @p1 .LBB1_3-.Ltmp3, $4  }
0x60: {  	v14 =	vperm.xlane.i2c.b16 v2;
	v2 =	vcombine.low v13, v0;
	v4 =	vld [tilespmem:s25+$0xFFFFFFC0];
	s25 =	sadd.s32 $0x80, s25;
	[tilespmem:s24+$0x1020 ss:$0x81] =	vst.msk $0xffff, v6  }
0x61: {  	s26 =	sshra.s32 s27, $0x2;
	s27 =	smov.u32 s28;
	v1 =	vld [tilespmem:s25+$0x20];
	v6 =	vperm.xlane.i2c.b16 v11;
	v11 =	vcombine.low v12, v8;
	[tilespmem:s24+$0x3060 ss:$0x81] =	vst.msk $0xffff, v7  }
0x62: {  	s26 =	sadd.s32 s26, s23;
	v5 =	vld [tilespmem:s25+$0x30];
	v7 =	vperm.xlane.i2c.b16 v9;
	v9 =	vcombine.high v12, v8;
	[tilespmem:s24+$0x0 ss:$0x81] =	vst.msk $0xffff, v2  }
0x63: {  	s28 =	sadd.s32 $0x4, s28;
	v2 =	vld [tilespmem:s25+$0xFFFFFFD0];
	v8 =	vperm.xlane.i2c.b16 v10;
	[tilespmem:s26+$0x1830 ss:$0x81] =	vst.msk $0xffff, v11;
	v10 =	vcombine.high v13, v0;
	v0 =	vmov v14  }
.Ltmp4:
0x64: {  	_ = 	snop;
	(pc) =	sbr.rel .LBB1_4-.Ltmp4, $1  }
0x65: {  	_ =	sdelay $0x3  }
.LBB1_6:
0x66: {  	_ =	sfence.sel $0x180000  }
0x67: {  	s2 =	simm.s32 $0x1;
	[bflag:$0x0] =	sbarrier.arrive $0xFFFF  }
0x68: {  	s31 =	simm.s32 $0x2;
	[sflag:s2] =	ssyncpa.u1 $0x1  }
0x69: {  	[sflag:s31] =	ssyncpa.u1 $0x1  }
0x6a: {  	p0 =	sne.s32 s1, $0x0;
	_ =	strace $0x9000004D  }
0x6b: {  	s0 =	sadd.s32 @!p0 $0x100000, s0;
	[bflag:$0x2] =	sbarrier.arrive $0xFFFF  }
0x6c: {  	[sflag:s0] =	ssyncadd.tile.s32 @!p0 $0x1;
	_ =	shalt  }
.Lfunc_end1:
_tile_overlayer_lowered:
.L_overlay_start_2:
0x6d: {  	(tag) =	ssettag $0x2  }
0x6e: {  	s0 =	rddreg [dreg:$0x0];
	s2 =	stileid.u32  }
0x6f: {  	s1 =	rddreg [dreg:$0x1];
	p0 =	sne.s32 s2, $0x0  }
0x70: {  	s3 =	rddreg [dreg:$0x2];
	[bflag:$0x3] =	sbarrier.arrive $0xFFFF;
	s2 =	simm.s32 @!p0 $0x1C01  }
0x71: {  	[timem:s3], [sflag:s2] =	dma.local @!p0 [hbm:s0], s1  }
0x72: {  	s0 =	simm.s32 @!p0 $0x1  }
0x73: {  	_ =	swait.ge @!p0 [sflag:s0], s1  }
0x74: {  	s1 =	ssub.s32 @!p0 $0x0, s1;
	[sflag:s0] =	ssyncset.done @!p0 $0x0  }
0x75: {  	[sflag:s0] =	ssyncadd.s32 @!p0 s1  }
0x76: {  	[bflag:$0x3] =	sbarrier.arrive $0xFFFF  }
0x77: {  	_ =	shalt  }

// kernel: sparse-core-data-format-call.4.cloned.1.call-start
scs
called_computation.4_lowered:
.L_overlay_start_0:
0x0: {  	s1 =	sld [smem:$0x3FD9]  }
0x1: {  	s2 =	sld [smem:$0x3FFE];
	_ =	sdelay $0x1  }
0x2: {  	s3 =	srdreg.scid  }
0x3: {  	s0 =	sand.u32 $0x1, s3  }
0x4: {  	s17 =	sshll.u32 s0, $0xA;
	s1 =	sadd.s32 s2, s1  }
0x5: {  	s1 =	sadd.s32 s1, s17  }
0x6: {  	[smem:$0x3F6D] =	sst s1  }
0x7: {  	_ = 	snop  }
0x8: {  	(tm) =	ssettm $0x1  }
0x9: {  	s18 =	sld [smem:$0x3FFB];
	_ =	sdelay $0x3  }
0xa: {  	_ =	strace s18  }
0xb: {  	s1 =	sld [smem:$0x3FFC];
	_ =	sdelay $0x3  }
0xc: {  	_ =	strace s1  }
0xd: {  	s1 =	sld [smem:$0x3FFD];
	_ =	sdelay $0x3  }
0xe: {  	_ =	strace s1  }
0xf: {  	_ =	strace $0x8FFFFFFF  }
0x10: {  	s19 =	sld [smem:$0x3FDB];
	_ =	sdelay $0x1  }
0x11: {  	s20 =	simm.s32 $_scs_section_size  }
0x12: {  	s4 =	simm.s32 $_size__tile_overlayer_lowered;
	s5 =	simm.s32 $_tile_overlayer_lowered  }
0x13: {  	s23 =	simm.s32 $0x1BFF;
	s22 =	sshll.u32 s5, $0x1;
	s1 =	sadd.s32 s20, s19  }
0x14: {  	s6 =	simm.s32 $0x0;
	s21 =	sshll.u32 s4, $0x1;
	s4 =	sadd.s32 s22, s1  }
0x15: {  	[timem:s6], [sflag:s23] =	dma.local [hbm:s4], s21  }
0x16: {  	_ =	swait.ge [sflag:s23], s21  }
0x17: {  	s2 =	ssub.s32 $0x0, s21;
	[sflag:s23] =	ssyncset.done $0x0  }
0x18: {  	[sflag:s23] =	ssyncadd.s32 s2;
	_ =	sdelay $0x1  }
0x19: {  	s24 =	simm.s32 $0x1B8B  }
0x1a: {  	_ =	swait.ge [sflag:s24], $0x1  }
0x1b: {  	[sflag:s24] =	ssyncset.done $0x0  }
0x1c: {  	s26 =	simm.s32 $0x1B8E;
	s25 =	sld [smem:$0x3FFE];
	[sflag:s24] =	ssyncadd.s32 $0xFFFFFFFF  }
0x1d: {  	s27 =	simm.s32 $execute0_lowered;
	[smem:$0x3FD2] =	sst s26  }
0x1e: {  	s4 =	sshll.u32 s27, $0x1;
	_ =	strace $0x80000046;
	[dreg:$0x1] =	wrdreg $0xFFFFFFFF  }
0x1f: {  	s28 =	simm.s32 $_size_execute0_lowered;
	s1 =	sadd.s32 s1, s4;
	[dreg:$0x0] =	wrdreg $0x0  }
0x20: {  	s4 =	sshll.u32 s28, $0x1;
	[dreg:$0x2] =	wrdreg s1  }
0x21: {  	[dreg:$0x3] =	wrdreg s4  }
0x22: {  	[dreg:$0x4] =	wrdreg $0xC0  }
0x23: {  	_ =	task [dreg:s6], $0x5FFFF  }
0x24: {  	[dreg:$0x1] =	wrdreg $0xFFFFFFFF  }
0x25: {  	[dreg:$0x0] =	wrdreg $0x60  }
0x26: {  	[dreg:$0x2] =	wrdreg s25  }
0x27: {  	[dreg:$0x3] =	wrdreg $0x9  }
0x28: {  	_ =	task.clear_ibuf [dreg:s6], $0x4FFFF;
	_ =	strace $0x90000046  }
0x29: {  	s29 =	simm.s32 $0x9;
	_ =	strace $0x80000048  }
0x2a: {  	_ =	swait.ge [sflag:s29], $0x1  }
0x2b: {  	[sflag:s29] =	ssyncadd.s32 $0xFFFFFFFF  }
0x2c: {  	_ =	strace $0x90000048  }
0x2d: {  	_ =	sfence  }
0x2e: {  	s30 =	sld [smem:$0x0];
	_ =	sdelay $0x2  }
0x2f: {  	s31 =	sshll.u32 s3, $0xD;
	s3 =	sshrl.u32 s3, $0x2  }
0x30: {  	s2 =	sand.u32 $0x4000, s31;
	s1 =	sadd.s32 s3, s30  }
0x31: {  	s0 =	sor.u32 s2, s0;
	s1 =	sshll.u32 s1, $0x11  }
0x32: {  	s0 =	sor.u32 s1, s0  }
0x33: {  	s0 =	sadd.s32 $0x8F2B, s0  }
0x34: {  	[sflag:s0] =	ssyncadd.remote.s32 $0x1  }
0x35: {  	_ =	sfence.sel $0xFFFF  }
0x36: {  	[dreg:$0x0] =	wrdreg $0xFFFFFFFF;
	(pc) =	sbr.abs _section_cstart, $3  }
0x37: {  	[dreg:$0x1] =	wrdreg $0xFFFFFFFF  }
0x38: {  	_ =	task.clear_ibuf [dreg:s6], $0x2FFFF;
	_ =	strace $0x9FFFFFFF  }
0x39: {  	(tm) =	ssettm $0x7FFFFFFF  }
tec
execute0_lowered:
.L_overlay_start_1:
0x0: {  	(tag) =	ssettag $0x1  }
0x1: {  	s0 =	srdreg.scid;
	s9 =	rddreg [dreg:$0x0]  }
0x2: {  	s1 =	stileid.u32;
	s11 =	simm.s32 $0x2;
	s20 =	simm.s32 $0x0  }
0x3: {  	s18 =	simm.s32 $0x0;
	s17 =	simm.s32 $0x0;
	s19 =	simm.s32 $0x0  }
0x4: {  	s12 =	simm.s32 $0x0;
	s16 =	simm.s32 $0x0;
	s2 =	sshll.u32 s0, $0x4  }
0x5: {  	s0 =	rddreg [dreg:$0x1];
	s28 =	sshll.u32 s1, $0x6;
	s3 =	sor.u32 s1, s2  }
0x6: {  	_ =	strace $0x80000047;
	s2 =	sand.u32 $0x180, s28;
	s4 =	sshrl.u32 s3, $0x2  }
0x7: {  	s3 =	sand.u32 $0x1, s1;
	s5 =	ssub.s32 $0x200, s2;
	s14 =	smov.u32 s2  }
0x8: {  	s4 =	sand.u32 $0x6, s4;
	s6 =	ssub.s32 $0x2, s3;
	s7 =	sshrl.u32 s5, $0x9  }
0x9: {  	s5 =	sand.u32 $0x180, s5;
	s15 =	smov.u32 s3;
	s8 =	sshll.u32 s6, $0x1  }
0xa: {  	p0 =	sne.s32 s5, $0x0;
	s5 =	simm.s32 $0x1;
	s8 =	sand.u32 $0x2, s8  }
0xb: {  	s10 =	ssub.s32 $0x40, s4;
	s5 =	simm.s32 @!p0 $0x0;
	s6 =	sadd.s32 s8, s6  }
0xc: {  	s29 =	sand.u32 $0x6, s10;
	s5 =	sadd.s32 s5, s7;
	s6 =	sand.u32 $0x6, s6  }
0xd: {  	p0 =	sne.s32 s29, $0x0;
	s7 =	simm.s32 $0x1;
	s31 =	smul.u32 s5, s6  }
.Ltmp0:
0xe: {  	s30 =	sshrl.u32 s10, $0x3;
	s7 =	simm.s32 @!p0 $0x0;
	(pc) =	sbr.rel .LBB1_1-.Ltmp0, $4  }
0xf: {  	s13 =	smov.u32 s4;
	s8 =	sadd.s32 $0x140400, s9;
	s7 =	sadd.s32 s7, s30  }
0x10: {  	p0 =	por $0x0, $0x0;
	s6 =	simm.s32 $0x1;
	s7 =	smul.u32 s7, s31  }
0x11: {  	s5 =	sadd.s32 $0x40400, s9;
	s9 =	sadd.s32 $0x142400, s9;
	[sflag:s6] =	ssyncpa.u1 $0x0  }
0x12: {  	[sflag:s11] =	ssyncpa.u1 $0x0;
	s11 =	simm.s32 $0x800;
	s10 =	sor.u32 $0x1, s7  }
.LBB1_4:
0x13: {  	v11 =	vld [tilespmem:s25+$0xFFFFFFE0];
	v12 =	vcombine.low v6, v7  }
0x14: {  	v3 =	vperm.xlane.i2c.b16 v3;
	[tilespmem:s26+$0x3870 ss:$0x81] =	vst.msk $0xffff, v9;
	v46 =	vld [tilespmem:s25+$0xFFFFFFF0];
	v4 =	vperm.xlane.i2c.b16 v4  }
0x15: {  	v47 =	vcombine.high v6, v7;
	[tilespmem:s24+$0x2040 ss:$0x81] =	vst.msk $0xffff, v10;
	v48 =	vld [tilespmem:s25+$0x0];
	v5 =	vperm.xlane.i2c.b16 v5  }
0x16: {  	v50 =	vld [tilespmem:s25+$0x10];
	v2 =	vperm.xlane.i2c.b16 v2;
	[tilespmem:s26+$0x810 ss:$0x81] =	vst.msk $0xffff, v12;
	v49 =	vcombine.low v8, v3  }
0x17: {  	v52 =	vld [tilespmem:s25+$0xFFFFFFC0];
	v1 =	vperm.xlane.i2c.b16 v1;
	v51 =	vcombine.low v4, v0;
	[tilespmem:s26+$0x2850 ss:$0x81] =	vst.msk $0xffff, v47  }
0x18: {  	s25 =	sshra.s32 s27, $0x2;
	v3 =	vcombine.high v8, v3;
	v53 =	vcombine.low v2, v5;
	[tilespmem:s26+$0x1020 ss:$0x81] =	vst.msk $0xffff, v49  }
0x19: {  	s23 =	sadd.s32 s25, s23;
	v2 =	vcombine.high v2, v5;
	v56 =	vcombine.high v4, v0;
	[tilespmem:s26+$0x0 ss:$0x81] =	vst.msk $0xffff, v51  }
0x1a: {  	[tilespmem:s23+$0x1830 ss:$0x81] =	vst.msk $0xffff, v53;
	v11 =	vperm.xlane.i2c.b16 v11;
	v54 =	vperm.xlane.i2c.b16 v46  }
0x1b: {  	s27 =	sshll.u32 s20, $0x9;
	s28 =	sshll.u32 s17, $0x3;
	s29 =	sshll.u32 s20, $0x7;
	[tilespmem:s26+$0x3060 ss:$0x81] =	vst.msk $0xffff, v3;
	v55 =	vperm.xlane.i2c.b16 v48;
	v58 =	vperm.xlane.i2c.b16 v50  }
0x1c: {  	s31 =	sshll.u32 s17, $0x1;
	s19 =	sshll.u32 s19, $0x13;
	s18 =	sshll.u32 s18, $0xD;
	[tilespmem:s23+$0x3870 ss:$0x81] =	vst.msk $0xffff, v2;
	v60 =	vperm.xlane.i2c.b16 v52;
	v57 =	vcombine.low v11, v54  }
0x1d: {  	s24 =	sand.u32 $0x1F000, s27;
	s25 =	sand.u32 $0x1FC00, s28;
	s30 =	sand.u32 $0x200, s29;
	[tilespmem:s26+$0x2040 ss:$0x81] =	vst.msk $0xffff, v56;
	v61 =	vcombine.low v55, v58  }
0x1e: {  	s27 =	sand.u32 $0xF0, s31;
	s20 =	sand.u32 $0x100, s29;
	s28 =	sadd.s32 s19, s18;
	v63 =	vcombine.low v60, v1;
	[tilespmem:s23+$0x810 ss:$0x81] =	vst.msk $0xffff, v57  }
0x1f: {  	s29 =	sand.u32 $0x7, s17;
	s19 =	sadd.s32 s19, s9;
	s24 =	sadd.s32 s25, s24;
	v59 =	vcombine.high v11, v54;
	[tilespmem:s23+$0x1020 ss:$0x81] =	vst.msk $0xffff, v61  }
0x20: {  	s20 =	sor.u32 s27, s20;
	s25 =	sadd.s32 s8, s28;
	s24 =	sor.u32 s30, s24;
	v62 =	vcombine.high v55, v58;
	[tilespmem:s23+$0x0 ss:$0x81] =	vst.msk $0xffff, v63  }
0x21: {  	s17 =	sshll.u32 s29, $0x12;
	s20 =	sshrl.u32 s20, $0x4;
	s24 =	sshrl.u32 s24, $0x4;
	v0 =	vcombine.high v60, v1;
	[tilespmem:s23+$0x2850 ss:$0x81] =	vst.msk $0xffff, v59  }
0x22: {  	s18 =	sadd.s32 s18, s19;
	s25 =	sadd.s32 s20, s25;
	s24 =	sand.u32 $0x1FE0, s24;
	[tilespmem:s23+$0x3060 ss:$0x81] =	vst.msk $0xffff, v62  }
0x23: {  	s17 =	sor.u32 $0x200, s17;
	s18 =	sadd.s32 s20, s18;
	s30 =	sadd.s32 s24, s25;
	[tilespmem:s23+$0x2040 ss:$0x81] =	vst.msk $0xffff, v0  }
0x24: {  	[hbm4b:s30+s17] =	stream.strided.scatter [tilespmem:s22], [sflag:$0x2], $0x2000, s11, s17, $0x20;
	[tilespmem:$0x10100] =	vst v63  }
0x25: {  	s31 =	sadd.s32 $0xA040, s21;
	s18 =	sadd.s32 s24, s18  }
0x26: {  	[hbm4b:s18+s17] =	stream.strided.scatter [tilespmem:s31], [sflag:$0x2], $0x2000, s11, s17, $0x20;
	[tilespmem:$0x10100] =	vst v63  }
.LBB1_5:
0x27: {  	s21 =	sadd.s32 $0x80, s12  }
0x28: {  	s17 =	sadd.s32 $0x8, s13;
	s22 =	smov.u32 s13;
	p2 =	sgt.s32 s21, $0xFF  }
0x29: {  	s22 =	smov.u32 @p2 s17  }
0x2a: {  	s23 =	smov.u32 s14;
	s17 =	sadd.s32 $0x200, s14;
	p3 =	sgt.s32 s22, $0x3F  }
0x2b: {  	s23 =	smov.u32 @p3 s17  }
0x2c: {  	s24 =	smov.u32 s15;
	s17 =	sadd.s32 $0x2, s15;
	p4 =	sgt.s32 s23, $0x1FF  }
0x2d: {  	p1 =	slt.u32 s16, $0x2;
	s24 =	smov.u32 @p4 s17  }
0x2e: {  	s20 =	smov.u32 s12;
	s21 =	simm.s32 @p2 $0x0;
	p2 =	sgt.s32 s24, $0x1  }
0x2f: {  	s25 =	simm.s32 @!p1 $0x2;
	s24 =	smov.u32 @p2 s3;
	p2 =	sne.s32 s16, s10  }
.Ltmp1:
0x30: {  	s18 =	smov.u32 s13;
	_ =	swait.ge @!p1 [sflag:s25], $0x4000;
	(pc) =	sbr.rel @!p2 .LBB1_6-.Ltmp1, $4  }
0x31: {  	s19 =	smov.u32 s15;
	p0 =	por !p0, !p0;
	[sflag:s25] =	ssyncset.done @!p1 $0x0  }
0x32: {  	s12 =	smov.u32 s21;
	s22 =	smov.u32 @p3 s4;
	[sflag:s25] =	ssyncadd.s32 @!p1 $0xFFFFC000  }
0x33: {  	s13 =	smov.u32 s22;
	s23 =	smov.u32 @p4 s2;
	s17 =	smov.u32 s14  }
0x34: {  	s14 =	smov.u32 s23;
	s16 =	sadd.s32 $0x1, s16;
	s15 =	smov.u32 s24  }
.LBB1_1:
0x35: {  	p1 =	sge.u32 s16, s7  }
0x36: {  	s21 =	sshll.u32 @!p1 s13, $0x8;
	s22 =	sshll.u32 @!p1 s12, $0x3  }
0x37: {  	s23 =	sshll.u32 @!p1 s13, $0x7;
	s21 =	sand.u32 @!p1 $0x3800, s21;
	s22 =	sand.u32 @!p1 $0x3C00, s22  }
0x38: {  	s31 =	sadd.s32 $0xFFFFFFFF, s16;
	s21 =	sadd.s32 @!p1 s21, s22;
	s22 =	sand.u32 @!p1 $0x300, s23  }
0x39: {  	s25 =	sshrl.u32 @!p1 s12, $0x3;
	s21 =	sor.u32 @!p1 s22, s21;
	s22 =	sshll.u32 @!p1 s15, $0x13  }
0x3a: {  	s24 =	sshll.u32 @!p1 s14, $0xA;
	s25 =	sand.u32 @!p1 $0xF, s25;
	s22 =	sadd.s32 @!p1 s5, s22  }
0x3b: {  	s23 =	sxor.u32 @!p1 $0xFFFFFFFF, s16;
	s21 =	sshrl.u32 @!p1 s21, $0x4;
	s22 =	sadd.s32 @!p1 s24, s22  }
0x3c: {  	s21 =	sand.u32 @!p1 $0x3F0, s21;
	s24 =	sand.u32 @!p1 $0x7, s12;
	s22 =	sadd.s32 @!p1 s25, s22  }
0x3d: {  	s21 =	sadd.s32 @!p1 s21, s22;
	s22 =	sshll.u32 @!p1 s23, $0xE;
	s23 =	sshll.u32 @!p1 s24, $0x12  }
0x3e: {  	s24 =	simm.s32 @!p1 $0x2000;
	s22 =	sand.u32 @!p1 $0x4000, s22;
	s23 =	sor.u32 @!p1 $0x80, s23  }
0x3f: {  	[tilespmem:s22], [sflag:$0x1] =	stream.strided.gather @!p1 [hbm4b:s21+s23], $0x4000, s24, s23, $0x38;
	[tilespmem:$0x10100] =	vst v63  }
0x40: {  	p1 =	sge.u32 s31, s7  }
.Ltmp2:
0x41: {  	_ = 	snop;
	(pc) =	sbr.rel @p1 .LBB1_5-.Ltmp2, $1  }
0x42: {  	_ =	sdelay $0x3  }
0x43: {  	s21 =	simm.s32 $0x1  }
0x44: {  	_ =	swait.ge [sflag:s6], $0x4000;
	s21 =	simm.s32 @!p0 $0x0  }
0x45: {  	[sflag:s6] =	ssyncset.done $0x0;
	s22 =	sshll.u32 s21, $0xE  }
0x46: {  	[sflag:s6] =	ssyncadd.s32 $0xFFFFC000;
	s22 =	sor.u32 $0x40, s22  }
0x47: {  	v0 =	vld [tilespmem:s22+$0x20]  }
0x48: {  	v1 =	vld [tilespmem:s22+$0x30]  }
0x49: {  	v2 =	vld [tilespmem:s22+$0xFFFFFFD0]  }
0x4a: {  	v3 =	vld [tilespmem:s22+$0xFFFFFFE0]  }
0x4b: {  	v4 =	vld [tilespmem:s22+$0xFFFFFFF0]  }
0x4c: {  	v5 =	vld [tilespmem:s22+$0x0]  }
0x4d: {  	v6 =	vld [tilespmem:s22+$0x10];
	_ =	sdelay $0x1  }
0x4e: {  	s21 =	smul.u32 $0x10200, s21;
	v1 =	vperm.xlane.i2c.b16 v1;
	v0 =	vperm.xlane.i2c.b16 v0  }
0x4f: {  	v7 =	vld [tilespmem:s22+$0xFFFFFFC0];
	s22 =	sadd.s32 $0x80, s22;
	v10 =	vperm.xlane.i2c.b16 v2;
	v3 =	vperm.xlane.i2c.b16 v3  }
0x50: {  	s21 =	sshrl.u32 s21, $0x2;
	v9 =	vld [tilespmem:s22+$0x30];
	v4 =	vperm.xlane.i2c.b16 v4;
	v5 =	vperm.xlane.i2c.b16 v5  }
0x51: {  	s23 =	sor.u32 $0x8000, s21;
	v2 =	vld [tilespmem:s22+$0x20];
	v6 =	vperm.xlane.i2c.b16 v6;
	v8 =	vcombine.low v0, v1  }
0x52: {  	s24 =	sadd.s32 $0x0, s23;
	v0 =	vcombine.high v0, v1;
	v1 =	vld [tilespmem:s22+$0xFFFFFFD0];
	v11 =	vcombine.low v3, v4  }
0x53: {  	v12 =	vld [tilespmem:s22+$0xFFFFFFF0];
	[tilespmem:s24+$0x1830 ss:$0x81] =	vst.msk $0xffff, v8  }
0x54: {  	v13 =	vperm.xlane.i2c.b16 v7;
	v7 =	vcombine.low v5, v6;
	v8 =	vld [tilespmem:s22+$0xFFFFFFE0];
	[tilespmem:s24+$0x810 ss:$0x81] =	vst.msk $0xffff, v11  }
0x55: {  	v14 =	vld [tilespmem:s22+$0x0];
	v9 =	vperm.xlane.i2c.b16 v9;
	[tilespmem:s24+$0x3870 ss:$0x81] =	vst.msk $0xffff, v0;
	v0 =	vcombine.high v3, v4  }
0x56: {  	s31 =	sand.u32 $0x1, s16;
	v5 =	vcombine.high v5, v6;
	[tilespmem:s24+$0x1020 ss:$0x81] =	vst.msk $0xffff, v7;
	v3 =	vld [tilespmem:s22+$0x10];
	v11 =	vperm.xlane.i2c.b16 v2  }
0x57: {  	s21 =	smul.u32 $0x10200, s31;
	s25 =	sadd.s32 $0x80, s22;
	v4 =	vld [tilespmem:s22+$0xFFFFFFC0];
	[tilespmem:s24+$0x2850 ss:$0x81] =	vst.msk $0xffff, v0;
	v0 =	vperm.xlane.i2c.b16 v1;
	v1 =	vcombine.low v13, v10  }
0x58: {  	v7 =	vperm.xlane.i2c.b16 v12;
	v2 =	vld [tilespmem:s25+$0x20];
	[tilespmem:s24+$0x3060 ss:$0x81] =	vst.msk $0xffff, v5;
	v15 =	vcombine.low v11, v9  }
0x59: {  	s26 =	sadd.s32 $0x1, s23;
	s21 =	sshrl.u32 s21, $0x2;
	v5 =	vld [tilespmem:s25+$0x30];
	v9 =	vcombine.high v11, v9;
	v6 =	vperm.xlane.i2c.b16 v8;
	[tilespmem:s24+$0x0 ss:$0x81] =	vst.msk $0xffff, v1  }
0x5a: {  	s27 =	simm.s32 $0x8;
	s28 =	simm.s32 $0xC;
	s22 =	sor.u32 $0x8000, s21;
	v10 =	vcombine.high v13, v10;
	v1 =	vld [tilespmem:s25+$0xFFFFFFD0];
	v8 =	vperm.xlane.i2c.b16 v14;
	[tilespmem:s26+$0x1830 ss:$0x81] =	vst.msk $0xffff, v15  }
.LBB1_3:
0x5b: {  	p1 =	sne.s32 s28, $0x1FC;
	v11 =	vld [tilespmem:s25+$0xFFFFFFE0];
	v12 =	vcombine.low v6, v7;
	v3 =	vperm.xlane.i2c.b16 v3;
	[tilespmem:s26+$0x3870 ss:$0x81] =	vst.msk $0xffff, v9  }
0x5c: {  	v13 =	vperm.xlane.i2c.b16 v4;
	v4 =	vcombine.high v6, v7;
	v9 =	vld [tilespmem:s25+$0xFFFFFFF0];
	[tilespmem:s24+$0x2040 ss:$0x81] =	vst.msk $0xffff, v10;
	s24 =	smov.u32 s26  }
0x5d: {  	v10 =	vld [tilespmem:s25+$0x0];
	[tilespmem:s24+$0x810 ss:$0x81] =	vst.msk $0xffff, v12;
	v6 =	vcombine.low v8, v3;
	v7 =	vcombine.high v8, v3  }
.Ltmp3:
0x5e: {  	v8 =	vperm.xlane.i2c.b16 v5;
	v12 =	vperm.xlane.i2c.b16 v2;
	v3 =	vld [tilespmem:s25+$0x10];
	[tilespmem:s24+$0x2850 ss:$0x81] =	vst.msk $0xffff, v4;
	(pc) =	sbr.rel @p1 .LBB1_3-.Ltmp3, $4  }
0x5f: {  	v14 =	vperm.xlane.i2c.b16 v1;
	v1 =	vcombine.low v13, v0;
	v4 =	vld [tilespmem:s25+$0xFFFFFFC0];
	s25 =	sadd.s32 $0x80, s25;
	[tilespmem:s24+$0x1020 ss:$0x81] =	vst.msk $0xffff, v6  }
0x60: {  	s26 =	sshra.s32 s27, $0x2;
	s27 =	smov.u32 s28;
	v2 =	vld [tilespmem:s25+$0x20];
	v6 =	vperm.xlane.i2c.b16 v11;
	v11 =	vcombine.low v12, v8;
	[tilespmem:s24+$0x3060 ss:$0x81] =	vst.msk $0xffff, v7  }
0x61: {  	s26 =	sadd.s32 s26, s23;
	v5 =	vld [tilespmem:s25+$0x30];
	v7 =	vperm.xlane.i2c.b16 v9;
	v9 =	vcombine.high v12, v8;
	[tilespmem:s24+$0x0 ss:$0x81] =	vst.msk $0xffff, v1  }
0x62: {  	s28 =	sadd.s32 $0x4, s28;
	v1 =	vld [tilespmem:s25+$0xFFFFFFD0];
	v8 =	vperm.xlane.i2c.b16 v10;
	[tilespmem:s26+$0x1830 ss:$0x81] =	vst.msk $0xffff, v11;
	v10 =	vcombine.high v13, v0;
	v0 =	vmov v14  }
.Ltmp4:
0x63: {  	_ = 	snop;
	(pc) =	sbr.rel .LBB1_4-.Ltmp4, $1  }
0x64: {  	_ =	sdelay $0x3  }
.LBB1_6:
0x65: {  	_ =	sfence.sel $0x180000  }
0x66: {  	s2 =	simm.s32 $0x1;
	[bflag:$0x0] =	sbarrier.arrive $0xFFFF  }
0x67: {  	s31 =	simm.s32 $0x2;
	[sflag:s2] =	ssyncpa.u1 $0x1  }
0x68: {  	[sflag:s31] =	ssyncpa.u1 $0x1  }
0x69: {  	p0 =	sne.s32 s1, $0x0;
	_ =	strace $0x90000047  }
0x6a: {  	s0 =	sadd.s32 @!p0 $0x100000, s0;
	[bflag:$0x2] =	sbarrier.arrive $0xFFFF  }
0x6b: {  	[sflag:s0] =	ssyncadd.tile.s32 @!p0 $0x1;
	_ =	shalt  }
.Lfunc_end1:
_tile_overlayer_lowered:
.L_overlay_start_2:
0x6c: {  	(tag) =	ssettag $0x2  }
0x6d: {  	s0 =	rddreg [dreg:$0x0];
	s2 =	stileid.u32  }
0x6e: {  	s1 =	rddreg [dreg:$0x1];
	p0 =	sne.s32 s2, $0x0  }
0x6f: {  	s3 =	rddreg [dreg:$0x2];
	[bflag:$0x3] =	sbarrier.arrive $0xFFFF;
	s2 =	simm.s32 @!p0 $0x1C01  }
0x70: {  	[timem:s3], [sflag:s2] =	dma.local @!p0 [hbm:s0], s1  }
0x71: {  	s0 =	simm.s32 @!p0 $0x1  }
0x72: {  	_ =	swait.ge @!p0 [sflag:s0], s1  }
0x73: {  	s1 =	ssub.s32 @!p0 $0x0, s1;
	[sflag:s0] =	ssyncset.done @!p0 $0x0  }
0x74: {  	[sflag:s0] =	ssyncadd.s32 @!p0 s1  }
0x75: {  	[bflag:$0x3] =	sbarrier.arrive $0xFFFF  }
0x76: {  	_ =	shalt  }

// kernel: sparse-core-data-format-call.cloned.1.call-start
scs
called_computation_lowered:
.L_overlay_start_0:
0x0: {  	s1 =	sld [smem:$0x3FD9]  }
0x1: {  	s2 =	sld [smem:$0x3FFE];
	_ =	sdelay $0x1  }
0x2: {  	s3 =	srdreg.scid  }
0x3: {  	s0 =	sand.u32 $0x1, s3  }
0x4: {  	s17 =	sshll.u32 s0, $0xA;
	s1 =	sadd.s32 s2, s1  }
0x5: {  	s1 =	sadd.s32 s1, s17  }
0x6: {  	[smem:$0x3F6D] =	sst s1  }
0x7: {  	_ = 	snop  }
0x8: {  	(tm) =	ssettm $0x1  }
0x9: {  	s18 =	sld [smem:$0x3FFB];
	_ =	sdelay $0x3  }
0xa: {  	_ =	strace s18  }
0xb: {  	s1 =	sld [smem:$0x3FFC];
	_ =	sdelay $0x3  }
0xc: {  	_ =	strace s1  }
0xd: {  	s1 =	sld [smem:$0x3FFD];
	_ =	sdelay $0x3  }
0xe: {  	_ =	strace s1  }
0xf: {  	_ =	strace $0x8FFFFFFF  }
0x10: {  	s19 =	sld [smem:$0x3FDB];
	_ =	sdelay $0x1  }
0x11: {  	s20 =	simm.s32 $_scs_section_size  }
0x12: {  	s4 =	simm.s32 $_size__tile_overlayer_lowered;
	s5 =	simm.s32 $_tile_overlayer_lowered  }
0x13: {  	s23 =	simm.s32 $0x1BFF;
	s22 =	sshll.u32 s5, $0x1;
	s1 =	sadd.s32 s20, s19  }
0x14: {  	s6 =	simm.s32 $0x0;
	s21 =	sshll.u32 s4, $0x1;
	s4 =	sadd.s32 s22, s1  }
0x15: {  	[timem:s6], [sflag:s23] =	dma.local [hbm:s4], s21  }
0x16: {  	_ =	swait.ge [sflag:s23], s21  }
0x17: {  	s2 =	ssub.s32 $0x0, s21;
	[sflag:s23] =	ssyncset.done $0x0  }
0x18: {  	[sflag:s23] =	ssyncadd.s32 s2;
	_ =	sdelay $0x1  }
0x19: {  	s24 =	simm.s32 $0x1B8B  }
0x1a: {  	_ =	swait.ge [sflag:s24], $0x1  }
0x1b: {  	[sflag:s24] =	ssyncset.done $0x0  }
0x1c: {  	s26 =	simm.s32 $0x1B8E;
	s25 =	sld [smem:$0x3FFE];
	[sflag:s24] =	ssyncadd.s32 $0xFFFFFFFF  }
0x1d: {  	s27 =	simm.s32 $execute0_lowered;
	[smem:$0x3FD2] =	sst s26  }
0x1e: {  	s4 =	sshll.u32 s27, $0x1;
	_ =	strace $0x80000052;
	[dreg:$0x1] =	wrdreg $0xFFFFFFFF  }
0x1f: {  	s28 =	simm.s32 $_size_execute0_lowered;
	s1 =	sadd.s32 s1, s4;
	[dreg:$0x0] =	wrdreg $0x0  }
0x20: {  	s4 =	sshll.u32 s28, $0x1;
	[dreg:$0x2] =	wrdreg s1  }
0x21: {  	[dreg:$0x3] =	wrdreg s4  }
0x22: {  	[dreg:$0x4] =	wrdreg $0xC0  }
0x23: {  	_ =	task [dreg:s6], $0x5FFFF  }
0x24: {  	[dreg:$0x1] =	wrdreg $0xFFFFFFFF  }
0x25: {  	[dreg:$0x0] =	wrdreg $0x60  }
0x26: {  	[dreg:$0x2] =	wrdreg s25  }
0x27: {  	[dreg:$0x3] =	wrdreg $0x9  }
0x28: {  	_ =	task.clear_ibuf [dreg:s6], $0x4FFFF;
	_ =	strace $0x90000052  }
0x29: {  	s29 =	simm.s32 $0x9;
	_ =	strace $0x80000054  }
0x2a: {  	_ =	swait.ge [sflag:s29], $0x1  }
0x2b: {  	[sflag:s29] =	ssyncadd.s32 $0xFFFFFFFF  }
0x2c: {  	_ =	strace $0x90000054  }
0x2d: {  	_ =	sfence  }
0x2e: {  	s30 =	sld [smem:$0x0];
	_ =	sdelay $0x2  }
0x2f: {  	s31 =	sshll.u32 s3, $0xD;
	s3 =	sshrl.u32 s3, $0x2  }
0x30: {  	s2 =	sand.u32 $0x4000, s31;
	s1 =	sadd.s32 s3, s30  }
0x31: {  	s0 =	sor.u32 s2, s0;
	s1 =	sshll.u32 s1, $0x11  }
0x32: {  	s0 =	sor.u32 s1, s0  }
0x33: {  	s0 =	sadd.s32 $0x8F2B, s0  }
0x34: {  	[sflag:s0] =	ssyncadd.remote.s32 $0x1  }
0x35: {  	_ =	sfence.sel $0xFFFF  }
0x36: {  	[dreg:$0x0] =	wrdreg $0xFFFFFFFF;
	(pc) =	sbr.abs _section_cstart, $3  }
0x37: {  	[dreg:$0x1] =	wrdreg $0xFFFFFFFF  }
0x38: {  	_ =	task.clear_ibuf [dreg:s6], $0x2FFFF;
	_ =	strace $0x9FFFFFFF  }
0x39: {  	(tm) =	ssettm $0x7FFFFFFF  }
tec
execute0_lowered:
.L_overlay_start_1:
0x0: {  	(tag) =	ssettag $0x1  }
0x1: {  	s0 =	stileid.u32  }
0x2: {  	s1 =	srdreg.scid;
	s7 =	rddreg [dreg:$0x0];
	s31 =	simm.s32 $0x2  }
0x3: {  	s16 =	simm.s32 $0x0;
	s9 =	simm.s32 $0x10000;
	s14 =	simm.s32 $0x0  }
0x4: {  	s15 =	simm.s32 $0x0;
	s2 =	sshll.u32 s0, $0x6;
	s1 =	sshll.u32 s1, $0xA  }
0x5: {  	s10 =	simm.s32 $0x0;
	s1 =	sor.u32 s2, s1;
	s2 =	sand.u32 $0x1, s0  }
0x6: {  	s13 =	simm.s32 $0x0;
	s3 =	sand.u32 $0x780, s1;
	s4 =	ssub.s32 $0x2, s2  }
0x7: {  	s1 =	rddreg [dreg:$0x1];
	s5 =	ssub.s32 $0x4000, s3;
	s8 =	sshll.u32 s4, $0x1  }
0x8: {  	_ =	strace $0x80000053;
	s6 =	sand.u32 $0x780, s5;
	s8 =	sand.u32 $0x2, s8  }
0x9: {  	s5 =	sshrl.u32 s5, $0xB;
	p0 =	sne.s32 s6, $0x0;
	s6 =	simm.s32 $0x1  }
.Ltmp0:
0xa: {  	s4 =	sadd.s32 s8, s4;
	s6 =	simm.s32 @!p0 $0x0;
	(pc) =	sbr.rel .LBB1_1-.Ltmp0, $4  }
0xb: {  	s12 =	smov.u32 s2;
	s8 =	sand.u32 $0x6, s4;
	s6 =	sadd.s32 s6, s5  }
0xc: {  	s11 =	smov.u32 s3;
	s5 =	simm.s32 $0x1;
	s6 =	smul.u32 s6, s8  }
0xd: {  	s4 =	sadd.s32 $0xC000, s7;
	s7 =	sadd.s32 $0x10C000, s7;
	[sflag:s5] =	ssyncpa.u1 $0x0  }
0xe: {  	p0 =	por $0x0, $0x0;
	[sflag:s31] =	ssyncpa.u1 $0x0;
	s8 =	sor.u32 $0x1, s6  }
.LBB1_4:
0xf: {  	[tilespmem:s19+$0x1 ss:$0x81] =	vst.msk $0xffff, v11;
	v7 =	vcombine.high v7, v9;
	v4 =	vperm.xlane.i2c.b16 v4;
	v48 =	vld [tilespmem:s20+$0x230]  }
0x10: {  	[tilespmem:s19+$0x810 ss:$0x81] =	vst.msk $0xffff, v12;
	v49 =	vcombine.low v8, v10;
	v2 =	vperm.xlane.i2c.b16 v2;
	v50 =	vld [tilespmem:s20+$0x240]  }
0x11: {  	v51 =	vcombine.high v8, v10;
	v52 =	vld [tilespmem:s20+$0x250];
	v0 =	vcombine.high v0, v1;
	[tilespmem:s19+$0x811 ss:$0x81] =	vst.msk $0xffff, v7  }
0x12: {  	v5 =	vperm.xlane.i2c.b16 v5;
	v3 =	vperm.xlane.i2c.b16 v3;
	[tilespmem:s19+$0x1020 ss:$0x81] =	vst.msk $0xffff, v49  }
0x13: {  	v54 =	vperm.xlane.i2c.b16 v6;
	v53 =	vcombine.low v4, v2;
	[tilespmem:s17+$0x3061 ss:$0x81] =	vst.msk $0xffff, v0  }
0x14: {  	v2 =	vcombine.high v4, v2;
	v55 =	vcombine.low v5, v3;
	[tilespmem:s19+$0x1021 ss:$0x81] =	vst.msk $0xffff, v51  }
0x15: {  	s18 =	sshll.u32 s16, $0xE;
	s28 =	sshll.u32 s14, $0x3;
	v57 =	vcombine.high v5, v3;
	[tilespmem:s19+$0x1830 ss:$0x81] =	vst.msk $0xffff, v53;
	v56 =	vperm.xlane.i2c.b16 v48  }
0x16: {  	s23 =	sshll.u32 s14, $0x1;
	s29 =	sshll.u32 s16, $0x7;
	s15 =	sshll.u32 s15, $0x13;
	[tilespmem:s19+$0x2040 ss:$0x81] =	vst.msk $0xffff, v55;
	v58 =	vperm.xlane.i2c.b16 v50;
	v60 =	vperm.xlane.i2c.b16 v52  }
0x17: {  	s31 =	sand.u32 $0x7, s14;
	s18 =	sand.u32 $0x7E0000, s18;
	s21 =	sand.u32 $0x7FFC00, s28;
	[tilespmem:s19+$0x1831 ss:$0x81] =	vst.msk $0xffff, v2;
	v59 =	vcombine.low v54, v56  }
0x18: {  	s23 =	sand.u32 $0xF0, s23;
	s20 =	sand.u32 $0x3C00, s28;
	s18 =	sadd.s32 s21, s18;
	[tilespmem:s19+$0x2041 ss:$0x81] =	vst.msk $0xffff, v57;
	v62 =	vcombine.low v58, v60  }
0x19: {  	s16 =	sand.u32 $0x300, s29;
	s20 =	sor.u32 s20, s23;
	s18 =	sshrl.u32 s18, $0x4;
	v61 =	vcombine.high v54, v56;
	[tilespmem:s19+$0x2850 ss:$0x81] =	vst.msk $0xffff, v59  }
0x1a: {  	s15 =	sadd.s32 s7, s15;
	s16 =	sor.u32 s16, s20;
	s30 =	sand.u32 $0x7FC00, s18;
	v63 =	vcombine.high v58, v60;
	[tilespmem:s19+$0x3060 ss:$0x81] =	vst.msk $0xffff, v62  }
0x1b: {  	s14 =	sshll.u32 s31, $0x12;
	s16 =	sshrl.u32 s16, $0x4;
	s15 =	sadd.s32 s30, s15;
	[tilespmem:s19+$0x2851 ss:$0x81] =	vst.msk $0xffff, v61  }
0x1c: {  	s14 =	sor.u32 $0x200, s14;
	s15 =	sadd.s32 s16, s15;
	[tilespmem:s19+$0x3061 ss:$0x81] =	vst.msk $0xffff, v63  }
0x1d: {  	[hbm4b:s15+s14] =	stream.strided.scatter [tilespmem:s22], [sflag:$0x2], $0x4000, s9, s14, $0x20;
	[tilespmem:$0x10100] =	vst v63  }
.LBB1_5:
0x1e: {  	s17 =	sadd.s32 $0x100, s10  }
0x1f: {  	s14 =	sadd.s32 $0x800, s11;
	s18 =	smov.u32 s11;
	p2 =	sgt.s32 s17, $0x1FF  }
0x20: {  	s18 =	smov.u32 @p2 s14  }
0x21: {  	s20 =	smov.u32 s12;
	s14 =	sadd.s32 $0x2, s12;
	p3 =	sgt.s32 s18, $0x3FFF  }
0x22: {  	s20 =	smov.u32 @p3 s14  }
0x23: {  	s17 =	simm.s32 @p2 $0x0;
	p2 =	sgt.s32 s20, $0x1  }
0x24: {  	p1 =	slt.u32 s13, $0x2;
	s20 =	smov.u32 @p2 s2;
	p2 =	sne.s32 s13, s8  }
.Ltmp1:
0x25: {  	s19 =	simm.s32 @!p1 $0x2;
	(pc) =	sbr.rel @!p2 .LBB1_6-.Ltmp1, $4  }
0x26: {  	s16 =	smov.u32 s10;
	s15 =	smov.u32 s12;
	_ =	swait.ge @!p1 [sflag:s19], $0x4000  }
0x27: {  	p0 =	por !p0, !p0;
	[sflag:s19] =	ssyncset.done @!p1 $0x0;
	s10 =	smov.u32 s17  }
0x28: {  	s18 =	smov.u32 @p3 s3;
	s14 =	smov.u32 s11;
	[sflag:s19] =	ssyncadd.s32 @!p1 $0xFFFFC000  }
0x29: {  	s11 =	smov.u32 s18;
	s13 =	sadd.s32 $0x1, s13;
	s12 =	smov.u32 s20  }
.LBB1_1:
0x2a: {  	p1 =	sge.u32 s13, s6  }
0x2b: {  	s31 =	sadd.s32 $0xFFFFFFFF, s13;
	s17 =	sshll.u32 @!p1 s11, $0x9;
	s18 =	sshll.u32 @!p1 s10, $0x3  }
0x2c: {  	s19 =	sshll.u32 @!p1 s11, $0x7;
	s17 =	sand.u32 @!p1 $0x7FF000, s17;
	s18 =	sand.u32 @!p1 $0x7FFC00, s18  }
0x2d: {  	s20 =	sshll.u32 @!p1 s10, $0x1;
	s17 =	sadd.s32 @!p1 s17, s18;
	s18 =	sand.u32 @!p1 $0x200, s19  }
0x2e: {  	s19 =	sand.u32 @!p1 $0x100, s19;
	s17 =	sor.u32 @!p1 s18, s17;
	s18 =	sand.u32 @!p1 $0xF0, s20  }
0x2f: {  	s20 =	sxor.u32 @!p1 $0xFFFFFFFF, s13;
	s18 =	sor.u32 @!p1 s19, s18;
	s19 =	sshll.u32 @!p1 s12, $0x13  }
0x30: {  	s17 =	sshrl.u32 @!p1 s17, $0x4;
	s18 =	sshrl.u32 @!p1 s18, $0x4;
	s19 =	sadd.s32 @!p1 s4, s19  }
0x31: {  	s17 =	sand.u32 @!p1 $0x7FFE0, s17;
	s18 =	sadd.s32 @!p1 s18, s19;
	s19 =	sand.u32 @!p1 $0x7, s10  }
0x32: {  	s17 =	sadd.s32 @!p1 s17, s18;
	s18 =	sshll.u32 @!p1 s20, $0xE;
	s19 =	sshll.u32 @!p1 s19, $0x12  }
0x33: {  	s20 =	simm.s32 @!p1 $0x800;
	s18 =	sand.u32 @!p1 $0x4000, s18;
	s19 =	sor.u32 @!p1 $0x400, s19  }
0x34: {  	[tilespmem:s18], [sflag:$0x1] =	stream.strided.gather @!p1 [hbm4b:s17+s19], $0x4000, s20, s19, $0x38;
	[tilespmem:$0x10100] =	vst v63  }
0x35: {  	p1 =	sge.u32 s31, s6  }
.Ltmp2:
0x36: {  	_ = 	snop;
	(pc) =	sbr.rel @p1 .LBB1_5-.Ltmp2, $1  }
0x37: {  	_ =	sdelay $0x3  }
0x38: {  	s19 =	sand.u32 $0x1, s13;
	s17 =	simm.s32 $0x0  }
0x39: {  	_ =	swait.ge [sflag:s5], $0x4000;
	s18 =	sshll.u32 s19, $0xE;
	s20 =	sand.u32 $0x3C00, s17  }
0x3a: {  	[sflag:s5] =	ssyncset.done $0x0;
	s17 =	sand.u32 $0x180, s17;
	s20 =	sadd.s32 s20, s18  }
0x3b: {  	[sflag:s5] =	ssyncadd.s32 $0xFFFFC000;
	s22 =	sadd.s32 s17, s20  }
0x3c: {  	v0 =	vld [tilespmem:s22+$0x260]  }
0x3d: {  	v1 =	vld [tilespmem:s22+$0x270]  }
0x3e: {  	v2 =	vld [tilespmem:s22+$0x0]  }
0x3f: {  	v3 =	vld [tilespmem:s22+$0x10]  }
0x40: {  	v4 =	vld [tilespmem:s22+$0x20]  }
0x41: {  	s17 =	simm.s32 $0x1;
	v5 =	vld [tilespmem:s22+$0x30]  }
0x42: {  	s17 =	simm.s32 @!p0 $0x0;
	v6 =	vld [tilespmem:s22+$0x40]  }
0x43: {  	v7 =	vld [tilespmem:s22+$0x50];
	s17 =	smul.u32 $0x10200, s17;
	v1 =	vperm.xlane.i2c.b16 v1;
	v0 =	vperm.xlane.i2c.b16 v0  }
0x44: {  	v8 =	vld [tilespmem:s22+$0x60];
	v2 =	vperm.xlane.i2c.b16 v2;
	v3 =	vperm.xlane.i2c.b16 v3  }
0x45: {  	v10 =	vld [tilespmem:s22+$0x70];
	s17 =	sshrl.u32 s17, $0x2;
	v9 =	vcombine.low v0, v1;
	v0 =	vcombine.high v0, v1  }
0x46: {  	s17 =	sor.u32 $0x8000, s17;
	v1 =	vperm.xlane.i2c.b16 v5;
	v5 =	vld [tilespmem:s22+$0x200];
	v11 =	vcombine.low v2, v3  }
0x47: {  	v4 =	vperm.xlane.i2c.b16 v4;
	v2 =	vcombine.high v2, v3;
	v3 =	vld [tilespmem:s22+$0x210];
	[tilespmem:s17+$0x3870 ss:$0x81] =	vst.msk $0xffff, v9  }
0x48: {  	s30 =	simm.s32 $0x100;
	v6 =	vperm.xlane.i2c.b16 v6;
	v7 =	vperm.xlane.i2c.b16 v7;
	v9 =	vld [tilespmem:s22+$0x220];
	[tilespmem:s17+$0x0 ss:$0x81] =	vst.msk $0xffff, v11  }
0x49: {  	s21 =	simm.s32 $0x80;
	s20 =	sand.u32 $0x3C00, s30;
	[tilespmem:s17+$0x3871 ss:$0x81] =	vst.msk $0xffff, v0;
	v0 =	vcombine.low v4, v1;
	v1 =	vcombine.high v4, v1;
	v4 =	vld [tilespmem:s22+$0x230]  }
0x4a: {  	s23 =	sand.u32 $0x180, s21;
	s20 =	sadd.s32 s20, s18;
	[tilespmem:s17+$0x1 ss:$0x81] =	vst.msk $0xffff, v2;
	v2 =	vperm.xlane.i2c.b16 v8;
	v8 =	vperm.xlane.i2c.b16 v10;
	v10 =	vld [tilespmem:s22+$0x240]  }
0x4b: {  	s20 =	sadd.s32 s23, s20;
	[tilespmem:s17+$0x810 ss:$0x81] =	vst.msk $0xffff, v0;
	v0 =	vcombine.low v6, v7;
	v6 =	vcombine.high v6, v7;
	v7 =	vld [tilespmem:s22+$0x250]  }
0x4c: {  	v11 =	vcombine.low v2, v8;
	v2 =	vcombine.high v2, v8;
	v8 =	vld [tilespmem:s20+$0x0];
	[tilespmem:s17+$0x811 ss:$0x81] =	vst.msk $0xffff, v1  }
0x4d: {  	v1 =	vperm.xlane.i2c.b16 v5;
	v5 =	vld [tilespmem:s20+$0x260];
	[tilespmem:s17+$0x1020 ss:$0x81] =	vst.msk $0xffff, v0;
	v0 =	vperm.xlane.i2c.b16 v3  }
0x4e: {  	v3 =	vld [tilespmem:s20+$0x270];
	[tilespmem:s17+$0x1021 ss:$0x81] =	vst.msk $0xffff, v6;
	v6 =	vperm.xlane.i2c.b16 v9  }
0x4f: {  	[tilespmem:s17+$0x1830 ss:$0x81] =	vst.msk $0xffff, v11;
	v11 =	vld [tilespmem:s20+$0x10];
	v4 =	vperm.xlane.i2c.b16 v4;
	v9 =	vcombine.low v1, v0  }
0x50: {  	v12 =	vcombine.high v1, v0;
	v0 =	vperm.xlane.i2c.b16 v10  }
0x51: {  	[tilespmem:s17+$0x1831 ss:$0x81] =	vst.msk $0xffff, v2;
	v2 =	vld [tilespmem:s20+$0x20];
	v10 =	vcombine.low v6, v4;
	v1 =	vperm.xlane.i2c.b16 v7  }
0x52: {  	v4 =	vcombine.high v6, v4;
	v8 =	vperm.xlane.i2c.b16 v8;
	[tilespmem:s17+$0x2040 ss:$0x81] =	vst.msk $0xffff, v9;
	v9 =	vld [tilespmem:s20+$0x30]  }
0x53: {  	v6 =	vld [tilespmem:s20+$0x40];
	v5 =	vperm.xlane.i2c.b16 v5;
	[tilespmem:s17+$0x2041 ss:$0x81] =	vst.msk $0xffff, v12;
	v3 =	vperm.xlane.i2c.b16 v3  }
0x54: {  	[tilespmem:s17+$0x2850 ss:$0x81] =	vst.msk $0xffff, v10;
	v10 =	vld [tilespmem:s20+$0x50];
	v12 =	vcombine.low v0, v1;
	v11 =	vperm.xlane.i2c.b16 v11  }
0x55: {  	[tilespmem:s17+$0x2851 ss:$0x81] =	vst.msk $0xffff, v4;
	v4 =	vld [tilespmem:s20+$0x60];
	v13 =	vcombine.low v5, v3  }
0x56: {  	s31 =	smul.u32 $0x10200, s19;
	s19 =	sadd.s32 $0x2, s17;
	v7 =	vperm.xlane.i2c.b16 v2;
	v2 =	vld [tilespmem:s20+$0x70];
	[tilespmem:s17+$0x3060 ss:$0x81] =	vst.msk $0xffff, v12;
	v12 =	vcombine.low v8, v11  }
0x57: {  	v14 =	vcombine.high v5, v3;
	v5 =	vld [tilespmem:s20+$0x200];
	v9 =	vperm.xlane.i2c.b16 v9;
	[tilespmem:s19+$0x3870 ss:$0x81] =	vst.msk $0xffff, v13  }
0x58: {  	s22 =	sshrl.u32 s31, $0x2;
	v11 =	vcombine.high v8, v11;
	v3 =	vld [tilespmem:s20+$0x210];
	v8 =	vperm.xlane.i2c.b16 v6;
	[tilespmem:s19+$0x0 ss:$0x81] =	vst.msk $0xffff, v12  }
0x59: {  	s24 =	simm.s32 $0x200;
	s23 =	simm.s32 $0x2;
	s22 =	sor.u32 $0x8000, s22;
	v6 =	vld [tilespmem:s20+$0x220];
	[tilespmem:s19+$0x3871 ss:$0x81] =	vst.msk $0xffff, v14;
	v10 =	vperm.xlane.i2c.b16 v10;
	v12 =	vcombine.low v7, v9  }
.LBB1_3:
0x5a: {  	s25 =	sand.u32 $0x3C00, s24;
	[tilespmem:s19+$0x1 ss:$0x81] =	vst.msk $0xffff, v11;
	v7 =	vcombine.high v7, v9;
	v4 =	vperm.xlane.i2c.b16 v4;
	v9 =	vld [tilespmem:s20+$0x230];
	s21 =	sadd.s32 $0x80, s21  }
0x5b: {  	v11 =	vcombine.low v8, v10;
	v2 =	vperm.xlane.i2c.b16 v2;
	s26 =	sand.u32 $0x180, s21;
	s25 =	sadd.s32 s25, s18;
	[tilespmem:s19+$0x810 ss:$0x81] =	vst.msk $0xffff, v12;
	v12 =	vld [tilespmem:s20+$0x240]  }
0x5c: {  	s23 =	sadd.s32 $0x2, s23;
	v5 =	vperm.xlane.i2c.b16 v5;
	[tilespmem:s19+$0x811 ss:$0x81] =	vst.msk $0xffff, v7;
	v7 =	vcombine.high v8, v10;
	v8 =	vld [tilespmem:s20+$0x250];
	s20 =	sadd.s32 s26, s25  }
0x5d: {  	v3 =	vperm.xlane.i2c.b16 v3;
	p1 =	slt.u32 s23, $0x7E;
	v10 =	vld [tilespmem:s20+$0x260];
	[tilespmem:s19+$0x1020 ss:$0x81] =	vst.msk $0xffff, v11;
	v11 =	vcombine.low v4, v2  }
0x5e: {  	v2 =	vcombine.high v4, v2;
	v4 =	vperm.xlane.i2c.b16 v6;
	v13 =	vld [tilespmem:s20+$0x270];
	[tilespmem:s19+$0x1021 ss:$0x81] =	vst.msk $0xffff, v7  }
0x5f: {  	v7 =	vcombine.low v5, v3;
	v6 =	vld [tilespmem:s20+$0x0];
	[tilespmem:s19+$0x1830 ss:$0x81] =	vst.msk $0xffff, v11;
	v9 =	vperm.xlane.i2c.b16 v9  }
0x60: {  	v11 =	vld [tilespmem:s20+$0x10];
	[tilespmem:s19+$0x1831 ss:$0x81] =	vst.msk $0xffff, v2;
	v2 =	vcombine.high v5, v3;
	v3 =	vperm.xlane.i2c.b16 v12  }
0x61: {  	v5 =	vld [tilespmem:s20+$0x20];
	[tilespmem:s19+$0x2040 ss:$0x81] =	vst.msk $0xffff, v7;
	v7 =	vcombine.low v4, v9;
	v8 =	vperm.xlane.i2c.b16 v8  }
0x62: {  	v12 =	vld [tilespmem:s20+$0x30];
	[tilespmem:s19+$0x2041 ss:$0x81] =	vst.msk $0xffff, v2;
	v2 =	vcombine.high v4, v9;
	v9 =	vcombine.high v0, v1;
	v0 =	vmov v3  }
0x63: {  	v10 =	vperm.xlane.i2c.b16 v10;
	v3 =	vld [tilespmem:s20+$0x40];
	v13 =	vperm.xlane.i2c.b16 v13;
	[tilespmem:s19+$0x2850 ss:$0x81] =	vst.msk $0xffff, v7;
	v1 =	vmov v8  }
0x64: {  	v6 =	vperm.xlane.i2c.b16 v6;
	v14 =	vld [tilespmem:s20+$0x50];
	[tilespmem:s19+$0x2851 ss:$0x81] =	vst.msk $0xffff, v2;
	v8 =	vcombine.low v0, v1  }
.Ltmp3:
0x65: {  	v11 =	vperm.xlane.i2c.b16 v11;
	v4 =	vld [tilespmem:s20+$0x60];
	v15 =	vcombine.low v10, v13;
	[tilespmem:s17+$0x3061 ss:$0x81] =	vst.msk $0xffff, v9;
	s17 =	smov.u32 s19;
	(pc) =	sbr.rel @p1 .LBB1_3-.Ltmp3, $4  }
0x66: {  	v10 =	vcombine.high v10, v13;
	s19 =	sadd.s32 $0x2, s19;
	v7 =	vperm.xlane.i2c.b16 v5;
	v2 =	vld [tilespmem:s20+$0x70];
	[tilespmem:s17+$0x3060 ss:$0x81] =	vst.msk $0xffff, v8  }
0x67: {  	v13 =	vcombine.low v6, v11;
	v9 =	vperm.xlane.i2c.b16 v12;
	v5 =	vld [tilespmem:s20+$0x200];
	[tilespmem:s19+$0x3870 ss:$0x81] =	vst.msk $0xffff, v15  }
0x68: {  	v11 =	vcombine.high v6, v11;
	v8 =	vperm.xlane.i2c.b16 v3;
	v3 =	vld [tilespmem:s20+$0x210];
	[tilespmem:s19+$0x3871 ss:$0x81] =	vst.msk $0xffff, v10  }
0x69: {  	s24 =	sadd.s32 $0x100, s24;
	[tilespmem:s19+$0x0 ss:$0x81] =	vst.msk $0xffff, v13;
	v12 =	vcombine.low v7, v9;
	v10 =	vperm.xlane.i2c.b16 v14;
	v6 =	vld [tilespmem:s20+$0x220]  }
.Ltmp4:
0x6a: {  	_ = 	snop;
	(pc) =	sbr.rel .LBB1_4-.Ltmp4, $1  }
0x6b: {  	_ =	sdelay $0x3  }
.LBB1_6:
0x6c: {  	_ =	sfence.sel $0x180000  }
0x6d: {  	s2 =	simm.s32 $0x1;
	[bflag:$0x0] =	sbarrier.arrive $0xFFFF  }
0x6e: {  	s31 =	simm.s32 $0x2;
	[sflag:s2] =	ssyncpa.u1 $0x1  }
0x6f: {  	[sflag:s31] =	ssyncpa.u1 $0x1  }
0x70: {  	p0 =	sne.s32 s0, $0x0;
	_ =	strace $0x90000053  }
0x71: {  	s0 =	sadd.s32 @!p0 $0x100000, s1;
	[bflag:$0x2] =	sbarrier.arrive $0xFFFF  }
0x72: {  	[sflag:s0] =	ssyncadd.tile.s32 @!p0 $0x1;
	_ =	shalt  }
.Lfunc_end1:
_tile_overlayer_lowered:
.L_overlay_start_2:
0x73: {  	(tag) =	ssettag $0x2  }
0x74: {  	s0 =	rddreg [dreg:$0x0];
	s2 =	stileid.u32  }
0x75: {  	s1 =	rddreg [dreg:$0x1];
	p0 =	sne.s32 s2, $0x0  }
0x76: {  	s3 =	rddreg [dreg:$0x2];
	[bflag:$0x3] =	sbarrier.arrive $0xFFFF;
	s2 =	simm.s32 @!p0 $0x1C01  }
0x77: {  	[timem:s3], [sflag:s2] =	dma.local @!p0 [hbm:s0], s1  }
0x78: {  	s0 =	simm.s32 @!p0 $0x1  }
0x79: {  	_ =	swait.ge @!p0 [sflag:s0], s1  }
0x7a: {  	s1 =	ssub.s32 @!p0 $0x0, s1;
	[sflag:s0] =	ssyncset.done @!p0 $0x0  }
0x7b: {  	[sflag:s0] =	ssyncadd.s32 @!p0 s1  }
0x7c: {  	[bflag:$0x3] =	sbarrier.arrive $0xFFFF  }
0x7d: {  	_ =	shalt  }

</sc_bundles>
